<compile_context>
chip_gen: v7x
topology: tpu7x:2x2x1
jax: 0.10.2.dev20260603
libtpu: 0.0.44.dev20260713+nightly
codegen_flags: <defaults>
</compile_context>

<pallas_src>
import functools

import jax
import jax.numpy as jnp
from jax import lax
from jax.experimental import pallas as pl
from jax.experimental.pallas import tpu as pltpu
from jax.experimental.pallas import tpu_sc as plsc

N = 10000
E = 320000
D = 128
H = 128
G = 64
BN_EPS = 1e-5

NC = 2
NS = 16
NW = NC * NS
CHUNK = 128
NCPT = 80
L = NCPT * CHUNK
EPAD = NW * L
NPAD = 10240
ROWS_PER_TILE = 624
TAIL_OFF = ROWS_PER_TILE * NS
TAIL = N - TAIL_OFF
ZROWS = NPAD // NS


def _sc_edge_agg(src, dst, h, zeros):
    mesh = plsc.VectorSubcoreMesh(core_axis_name="c", subcore_axis_name="s")

    @functools.partial(
        pl.kernel,
        out_type=jax.ShapeDtypeStruct((NC, N, D), jnp.float32),
        mesh=mesh,
        scratch_types=[
            pltpu.VMEM((NCPT, CHUNK), jnp.int32),
            pltpu.VMEM((NCPT, CHUNK), jnp.int32),
            pltpu.VMEM((CHUNK, D), jnp.float32),
            pltpu.VMEM_SHARED((NPAD, D), jnp.float32),
        ],
    )
    def k(src_hbm, dst_hbm, h_hbm, zeros_hbm, out_hbm,
          sidx, didx, rows, agg_sh):
        cid = lax.axis_index("c")
        sid = lax.axis_index("s")
        wid = sid * NC + cid

        z0 = sid * ZROWS
        pltpu.sync_copy(zeros_hbm.at[pl.ds(z0, ZROWS)],
                        agg_sh.at[pl.ds(z0, ZROWS)])
        pltpu.sync_copy(src_hbm.at[wid], sidx)
        pltpu.sync_copy(dst_hbm.at[wid], didx)
        plsc.subcore_barrier()

        def chunk(c, carry):
            pltpu.sync_copy(h_hbm.at[sidx.at[c]], rows)
            pltpu.sync_copy(rows, agg_sh.at[didx.at[c]], add=True)
            return carry

        lax.fori_loop(0, NCPT, chunk, 0)

        plsc.subcore_barrier()
        r0 = sid * ROWS_PER_TILE
        pltpu.sync_copy(agg_sh.at[pl.ds(r0, ROWS_PER_TILE)],
                        out_hbm.at[cid, pl.ds(r0, ROWS_PER_TILE)])

        @pl.when(sid == NS - 1)
        def _():
            pltpu.sync_copy(agg_sh.at[pl.ds(TAIL_OFF, TAIL)],
                            out_hbm.at[cid, pl.ds(TAIL_OFF, TAIL)])

    return k(src, dst, h, zeros)


def _mlp_pool_body(x_ref, agg_ref, seg_ref,
                   W1_ref, b1_ref, g1_ref, bt1_ref,
                   W2_ref, b2_ref, g2_ref, bt2_ref,
                   h_out_ref, pool_ref):
    h = x_ref[...] + agg_ref[0] + agg_ref[1]
    y = jnp.dot(h, W1_ref[...], preferred_element_type=jnp.float32) + b1_ref[...]
    mean = jnp.mean(y, axis=0, keepdims=True)
    var = jnp.mean((y - mean) * (y - mean), axis=0, keepdims=True)
    y = g1_ref[...] * (y - mean) * lax.rsqrt(var + BN_EPS) + bt1_ref[...]
    y = jnp.maximum(y, 0.0)
    z = jnp.dot(y, W2_ref[...], preferred_element_type=jnp.float32) + b2_ref[...]
    mean = jnp.mean(z, axis=0, keepdims=True)
    var = jnp.mean((z - mean) * (z - mean), axis=0, keepdims=True)
    z = g2_ref[...] * (z - mean) * lax.rsqrt(var + BN_EPS) + bt2_ref[...]
    z = jnp.maximum(z, 0.0)
    h_out_ref[...] = z
    gids = lax.broadcasted_iota(jnp.int32, (G, N), 0)
    onehot = (gids == seg_ref[...]).astype(jnp.float32)
    pool_ref[...] = jnp.dot(onehot, z, preferred_element_type=jnp.float32)


def _mlp_pool(h, agg, seg, W1, b1, g1, bt1, W2, b2, g2, bt2):
    return pl.pallas_call(
        _mlp_pool_body,
        out_shape=[
            jax.ShapeDtypeStruct((N, H), jnp.float32),
            jax.ShapeDtypeStruct((G, H), jnp.float32),
        ],
    )(h, agg, seg,
      W1, b1.reshape(1, H), g1.reshape(1, H), bt1.reshape(1, H),
      W2, b2.reshape(1, H), g2.reshape(1, H), bt2.reshape(1, H))


def kernel(x, edge_index, seq_batch_node_id,
           c0_W1, c0_b1, c0_g1, c0_bt1, c0_W2, c0_b2, c0_g2, c0_bt2,
           c1_W1, c1_b1, c1_g1, c1_bt1, c1_W2, c1_b2, c1_g2, c1_bt2):
    pad = EPAD - E
    src = jnp.concatenate([edge_index[0], jnp.zeros((pad,), jnp.int32)])
    src = src.reshape(NCPT, NW, CHUNK).transpose(1, 0, 2)
    dst = jnp.concatenate([edge_index[1], jnp.full((pad,), N, jnp.int32)])
    dst = dst.reshape(NCPT, NW, CHUNK).transpose(1, 0, 2)
    seg = seq_batch_node_id.reshape(1, N)
    zeros = jnp.zeros((NPAD, D), jnp.float32)

    agg0 = _sc_edge_agg(src, dst, x, zeros)
    h0, p0 = _mlp_pool(x, agg0, seg,
                       c0_W1, c0_b1, c0_g1, c0_bt1, c0_W2, c0_b2, c0_g2, c0_bt2)
    agg1 = _sc_edge_agg(src, dst, h0, zeros)
    _, p1 = _mlp_pool(h0, agg1, seg,
                      c1_W1, c1_b1, c1_g1, c1_bt1, c1_W2, c1_b2, c1_g2, c1_bt2)
    return jnp.concatenate([p0, p1], axis=1)

# --- scband reference (transcript-rebuilt; emitter-appended) ---
"""Pipeline reference for scband-gin-encoder-11605001633947 (READ-ONLY COPY).

The authoritative reference and input builder live on the scoring server;
editing this copy changes nothing except your own understanding.
"""

import jax, jax.numpy as jnp
import numpy as np

N = 10000
E = 320000
D = 128
H = 128
G = 64
BN_EPS = 1e-5


def _init_linear(key, fan_in, fan_out):
    kw, kb = jax.random.split(key)
    bound = 1.0 / np.sqrt(fan_in)
    W = jax.random.uniform(kw, (fan_in, fan_out), jnp.float32, -bound, bound)
    b = jax.random.uniform(kb, (fan_out,), jnp.float32, -bound, bound)
    return W, b


def setup_inputs(seed: int = 0) -> dict:
    key = jax.random.key(seed)
    ks = jax.random.split(key, 8)
    x = jax.random.normal(ks[0], (N, D), dtype=jnp.float32)
    edge_index = jax.random.randint(ks[1], (2, E), 0, N, dtype=jnp.int32)
    seq_batch_node_id = jnp.sort(jax.random.randint(ks[2], (N,), 0, G, dtype=jnp.int32))
    inp = {"x": x, "edge_index": edge_index, "seq_batch_node_id": seq_batch_node_id}
    # conv 0 MLP params (Linear(D,H), BN(H), ReLU, Linear(H,H), BN(H), ReLU)
    W, b = _init_linear(ks[3], D, H)
    inp["c0_W1"], inp["c0_b1"] = W, b
    inp["c0_g1"], inp["c0_bt1"] = jnp.ones((H,), jnp.float32), jnp.zeros((H,), jnp.float32)
    W, b = _init_linear(ks[4], H, H)
    inp["c0_W2"], inp["c0_b2"] = W, b
    inp["c0_g2"], inp["c0_bt2"] = jnp.ones((H,), jnp.float32), jnp.zeros((H,), jnp.float32)
    # conv 1 MLP params
    W, b = _init_linear(ks[5], H, H)
    inp["c1_W1"], inp["c1_b1"] = W, b
    inp["c1_g1"], inp["c1_bt1"] = jnp.ones((H,), jnp.float32), jnp.zeros((H,), jnp.float32)
    W, b = _init_linear(ks[6], H, H)
    inp["c1_W2"], inp["c1_b2"] = W, b
    inp["c1_g2"], inp["c1_bt2"] = jnp.ones((H,), jnp.float32), jnp.zeros((H,), jnp.float32)
    return inp


def _batch_norm(h, gamma, beta):
    mean = jnp.mean(h, axis=0, keepdims=True)
    var = jnp.var(h, axis=0, keepdims=True)
    return gamma * (h - mean) * jax.lax.rsqrt(var + BN_EPS) + beta


def _mlp(h, W1, b1, g1, bt1, W2, b2, g2, bt2):
    h = h @ W1 + b1
    h = jax.nn.relu(_batch_norm(h, g1, bt1))
    h = h @ W2 + b2
    h = jax.nn.relu(_batch_norm(h, g2, bt2))
    return h


def _gin_conv(h, edge_index, W1, b1, g1, bt1, W2, b2, g2, bt2):
    src, dst = edge_index[0], edge_index[1]
    # aggr='add': scatter-add messages from src nodes into dst nodes
    agg = jnp.zeros_like(h).at[dst].add(h[src])
    # GIN: (1 + eps) * x + aggr, eps = 0 (default)
    return _mlp(h + agg, W1, b1, g1, bt1, W2, b2, g2, bt2)


def reference(x, edge_index, seq_batch_node_id,
              c0_W1, c0_b1, c0_g1, c0_bt1, c0_W2, c0_b2, c0_g2, c0_bt2,
              c1_W1, c1_b1, c1_g1, c1_bt1, c1_W2, c1_b2, c1_g2, c1_bt2):
    h0 = _gin_conv(x, edge_index, c0_W1, c0_b1, c0_g1, c0_bt1, c0_W2, c0_b2, c0_g2, c0_bt2)
    h1 = _gin_conv(h0, edge_index, c1_W1, c1_b1, c1_g1, c1_bt1, c1_W2, c1_b2, c1_g2, c1_bt2)
    # global_add_pool per layer, then concat
    p0 = jax.ops.segment_sum(h0, seq_batch_node_id, num_segments=G)
    p1 = jax.ops.segment_sum(h1, seq_batch_node_id, num_segments=G)
    graph_embeds = jnp.concatenate([p0, p1], axis=1)
    return graph_embeds


if False:  # reference __main__ guard neutralized (emitter)
    out = reference(**setup_inputs())
    print(out.shape)

if __name__ == "__main__":
    import jax
    _d = setup_inputs()
    print(jax.jit(kernel)(*tuple(_d.values())))

</pallas_src>

<mosaic_0001>
#map = affine_map<(d0, d1) -> (0, 0, 0)>
#map1 = affine_map<(d0, d1) -> (0, 0)>
module attributes {stable_mosaic.version = 14 : i64} {
  func.func @k(%arg0: i32, %arg1: i32, %arg2: memref<32x80x128xi32, #tpu.memory_space<hbm>>, %arg3: memref<32x80x128xi32, #tpu.memory_space<hbm>>, %arg4: memref<10000x128xf32, #tpu.memory_space<hbm>>, %arg5: memref<10240x128xf32, #tpu.memory_space<hbm>>, %arg6: memref<2x10000x128xf32, #tpu.memory_space<hbm>>, %arg7: memref<80x128xi32, #tpu.memory_space<vmem>>, %arg8: memref<80x128xi32, #tpu.memory_space<vmem>>, %arg9: memref<128x128xf32, #tpu.memory_space<vmem>>, %arg10: memref<10240x128xf32, #tpu.memory_space<vmem_shared>>) attributes {dimension_semantics = [#tpu.dimension_semantics<core_parallel>, #tpu.dimension_semantics<subcore_parallel>], iteration_bounds = array<i64: 2, 16>, scalar_prefetch = 0 : i64, scratch_operands = 4 : i64, tpu.core_type = #tpu.core_type<sc_vector_subcore>, window_params = [{transform_indices = #map}, {transform_indices = #map}, {transform_indices = #map1}, {transform_indices = #map1}, {transform_indices = #map}]} {
    %mul3A = arith.constant 2 : i32
    %mul3A_0 = arith.muli %arg1, %mul3A : i32
    %add3A = arith.addi %mul3A_0, %arg0 : i32
    %mul3A_1 = arith.constant 640 : i32
    %mul3A_2 = arith.muli %arg1, %mul3A_1 : i32
    "tpu.region"() ({
      %run_scoped3A = tpu.sem_alloc : memref<!tpu.dma_semaphore, #tpu.memory_space<semaphore_mem>>
      %dma_start3A = arith.constant 0 : i32
      %dma_start3A_13 = tpu.memref_slice %arg10[%mul3A_2, %dma_start3A] : memref<10240x128xf32, #tpu.memory_space<vmem_shared>> -> memref<640x128xf32, #tpu.memory_space<vmem_shared>>
      %dma_start3A_14 = arith.constant 0 : i32
      %dma_start3A_15 = tpu.memref_slice %arg5[%mul3A_2, %dma_start3A_14] : memref<10240x128xf32, #tpu.memory_space<hbm>> -> memref<640x128xf32, #tpu.memory_space<hbm>>
      tpu.enqueue_dma source(%dma_start3A_15 : memref<640x128xf32, #tpu.memory_space<hbm>>) target(%dma_start3A_13 : memref<640x128xf32, #tpu.memory_space<vmem_shared>>) target_semaphore(%run_scoped3A : memref<!tpu.dma_semaphore, #tpu.memory_space<semaphore_mem>>)
      %dma_wait3A = arith.constant 0 : i32
      %dma_wait3A_16 = tpu.memref_slice %arg10[%mul3A_2, %dma_wait3A] : memref<10240x128xf32, #tpu.memory_space<vmem_shared>> -> memref<640x128xf32, #tpu.memory_space<vmem_shared>>
      %dma_wait3A_17 = arith.constant 0 : i32
      %dma_wait3A_18 = tpu.memref_slice %arg5[%mul3A_2, %dma_wait3A_17] : memref<10240x128xf32, #tpu.memory_space<hbm>> -> memref<640x128xf32, #tpu.memory_space<hbm>>
      tpu.wait_dma2 semaphore(%run_scoped3A : memref<!tpu.dma_semaphore, #tpu.memory_space<semaphore_mem>>) src(%dma_wait3A_18 : memref<640x128xf32, #tpu.memory_space<hbm>>) dst(%dma_wait3A_16 : memref<640x128xf32, #tpu.memory_space<vmem_shared>>)
      tpu.yield
    }) : () -> ()
    "tpu.region"() ({
      %run_scoped3A = tpu.sem_alloc : memref<!tpu.dma_semaphore, #tpu.memory_space<semaphore_mem>>
      %dma_start3A = arith.constant 0 : i32
      %dma_start3A_13 = arith.constant 0 : i32
      %dma_start3A_14 = tpu.memref_slice %arg2[%add3A, %dma_start3A, %dma_start3A_13] : memref<32x80x128xi32, #tpu.memory_space<hbm>> -> memref<1x80x128xi32, #tpu.memory_space<hbm>>
      %dma_start3A_15 = tpu.memref_squeeze %dma_start3A_14 : memref<1x80x128xi32, #tpu.memory_space<hbm>> -> memref<80x128xi32, #tpu.memory_space<hbm>>
      %dma_start3A_16 = arith.constant 0 : i32
      %dma_start3A_17 = arith.constant 0 : i32
      %dma_start3A_18 = tpu.memref_slice %arg2[%add3A, %dma_start3A_16, %dma_start3A_17] : memref<32x80x128xi32, #tpu.memory_space<hbm>> -> memref<1x80x128xi32, #tpu.memory_space<hbm>>
      %dma_start3A_19 = tpu.memref_squeeze %dma_start3A_18 : memref<1x80x128xi32, #tpu.memory_space<hbm>> -> memref<80x128xi32, #tpu.memory_space<hbm>>
      tpu.enqueue_dma source(%dma_start3A_19 : memref<80x128xi32, #tpu.memory_space<hbm>>) target(%arg7 : memref<80x128xi32, #tpu.memory_space<vmem>>) target_semaphore(%run_scoped3A : memref<!tpu.dma_semaphore, #tpu.memory_space<semaphore_mem>>)
      %dma_wait3A = arith.constant 0 : i32
      %dma_wait3A_20 = arith.constant 0 : i32
      %dma_wait3A_21 = tpu.memref_slice %arg2[%add3A, %dma_wait3A, %dma_wait3A_20] : memref<32x80x128xi32, #tpu.memory_space<hbm>> -> memref<1x80x128xi32, #tpu.memory_space<hbm>>
      %dma_wait3A_22 = tpu.memref_squeeze %dma_wait3A_21 : memref<1x80x128xi32, #tpu.memory_space<hbm>> -> memref<80x128xi32, #tpu.memory_space<hbm>>
      %dma_wait3A_23 = arith.constant 0 : i32
      %dma_wait3A_24 = arith.constant 0 : i32
      %dma_wait3A_25 = tpu.memref_slice %arg2[%add3A, %dma_wait3A_23, %dma_wait3A_24] : memref<32x80x128xi32, #tpu.memory_space<hbm>> -> memref<1x80x128xi32, #tpu.memory_space<hbm>>
      %dma_wait3A_26 = tpu.memref_squeeze %dma_wait3A_25 : memref<1x80x128xi32, #tpu.memory_space<hbm>> -> memref<80x128xi32, #tpu.memory_space<hbm>>
      tpu.wait_dma2 semaphore(%run_scoped3A : memref<!tpu.dma_semaphore, #tpu.memory_space<semaphore_mem>>) src(%dma_wait3A_26 : memref<80x128xi32, #tpu.memory_space<hbm>>) dst(%arg7 : memref<80x128xi32, #tpu.memory_space<vmem>>)
      tpu.yield
    }) : () -> ()
    "tpu.region"() ({
      %run_scoped3A = tpu.sem_alloc : memref<!tpu.dma_semaphore, #tpu.memory_space<semaphore_mem>>
      %dma_start3A = arith.constant 0 : i32
      %dma_start3A_13 = arith.constant 0 : i32
      %dma_start3A_14 = tpu.memref_slice %arg3[%add3A, %dma_start3A, %dma_start3A_13] : memref<32x80x128xi32, #tpu.memory_space<hbm>> -> memref<1x80x128xi32, #tpu.memory_space<hbm>>
      %dma_start3A_15 = tpu.memref_squeeze %dma_start3A_14 : memref<1x80x128xi32, #tpu.memory_space<hbm>> -> memref<80x128xi32, #tpu.memory_space<hbm>>
      %dma_start3A_16 = arith.constant 0 : i32
      %dma_start3A_17 = arith.constant 0 : i32
      %dma_start3A_18 = tpu.memref_slice %arg3[%add3A, %dma_start3A_16, %dma_start3A_17] : memref<32x80x128xi32, #tpu.memory_space<hbm>> -> memref<1x80x128xi32, #tpu.memory_space<hbm>>
      %dma_start3A_19 = tpu.memref_squeeze %dma_start3A_18 : memref<1x80x128xi32, #tpu.memory_space<hbm>> -> memref<80x128xi32, #tpu.memory_space<hbm>>
      tpu.enqueue_dma source(%dma_start3A_19 : memref<80x128xi32, #tpu.memory_space<hbm>>) target(%arg8 : memref<80x128xi32, #tpu.memory_space<vmem>>) target_semaphore(%run_scoped3A : memref<!tpu.dma_semaphore, #tpu.memory_space<semaphore_mem>>)
      %dma_wait3A = arith.constant 0 : i32
      %dma_wait3A_20 = arith.constant 0 : i32
      %dma_wait3A_21 = tpu.memref_slice %arg3[%add3A, %dma_wait3A, %dma_wait3A_20] : memref<32x80x128xi32, #tpu.memory_space<hbm>> -> memref<1x80x128xi32, #tpu.memory_space<hbm>>
      %dma_wait3A_22 = tpu.memref_squeeze %dma_wait3A_21 : memref<1x80x128xi32, #tpu.memory_space<hbm>> -> memref<80x128xi32, #tpu.memory_space<hbm>>
      %dma_wait3A_23 = arith.constant 0 : i32
      %dma_wait3A_24 = arith.constant 0 : i32
      %dma_wait3A_25 = tpu.memref_slice %arg3[%add3A, %dma_wait3A_23, %dma_wait3A_24] : memref<32x80x128xi32, #tpu.memory_space<hbm>> -> memref<1x80x128xi32, #tpu.memory_space<hbm>>
      %dma_wait3A_26 = tpu.memref_squeeze %dma_wait3A_25 : memref<1x80x128xi32, #tpu.memory_space<hbm>> -> memref<80x128xi32, #tpu.memory_space<hbm>>
      tpu.wait_dma2 semaphore(%run_scoped3A : memref<!tpu.dma_semaphore, #tpu.memory_space<semaphore_mem>>) src(%dma_wait3A_26 : memref<80x128xi32, #tpu.memory_space<hbm>>) dst(%arg8 : memref<80x128xi32, #tpu.memory_space<vmem>>)
      tpu.yield
    }) : () -> ()
    %barrier3A = arith.constant 0 : index
    tpu.barrier barrier_id(%barrier3A)
    %scan3A = arith.constant 0 : i32
    %scan3A_3 = arith.constant 0 : i32
    %scan3A_4 = arith.constant 80 : i32
    %scan3A_5 = arith.addi %scan3A_3, %scan3A_4 : i32
    %scan3A_6 = arith.constant 1 : i32
    scf.for %scan3A_13 = %scan3A_3 to %scan3A_5 step %scan3A_6  : i32 {
      "tpu.region"() ({
        %run_scoped3A = tpu.sem_alloc : memref<!tpu.dma_semaphore, #tpu.memory_space<semaphore_mem>>
        %dma_start3A = arith.constant 0 : i32
        %dma_start3A_14 = tpu.memref_slice %arg7[%scan3A_13, %dma_start3A] : memref<80x128xi32, #tpu.memory_space<vmem>> -> memref<1x128xi32, #tpu.memory_space<vmem>>
        %dma_start3A_15 = tpu.memref_squeeze %dma_start3A_14 : memref<1x128xi32, #tpu.memory_space<vmem>> -> memref<128xi32, #tpu.memory_space<vmem>>
        %dma_start3A_16 = arith.constant 0 : i32
        %dma_start3A_17 = arith.constant 0 : i32
        %dma_start3A_18 = tpu.memref_slice %arg4[%dma_start3A_16, %dma_start3A_17] : memref<10000x128xf32, #tpu.memory_space<hbm>> -> memref<10000x128xf32, #tpu.memory_space<hbm>>
        tpu.enqueue_indirect_dma source(%dma_start3A_18 : memref<10000x128xf32, #tpu.memory_space<hbm>>) target(%arg9 : memref<128x128xf32, #tpu.memory_space<vmem>>) offsets(%dma_start3A_15 : memref<128xi32, #tpu.memory_space<vmem>>) semaphore(%run_scoped3A : memref<!tpu.dma_semaphore, #tpu.memory_space<semaphore_mem>>)
        %dma_wait3A = arith.constant 0 : i32
        %dma_wait3A_19 = tpu.memref_slice %arg7[%scan3A_13, %dma_wait3A] : memref<80x128xi32, #tpu.memory_space<vmem>> -> memref<1x128xi32, #tpu.memory_space<vmem>>
        %dma_wait3A_20 = tpu.memref_squeeze %dma_wait3A_19 : memref<1x128xi32, #tpu.memory_space<vmem>> -> memref<128xi32, #tpu.memory_space<vmem>>
        %dma_wait3A_21 = arith.constant 0 : i32
        %dma_wait3A_22 = arith.constant 0 : i32
        %dma_wait3A_23 = tpu.memref_slice %arg4[%dma_wait3A_21, %dma_wait3A_22] : memref<10000x128xf32, #tpu.memory_space<hbm>> -> memref<10000x128xf32, #tpu.memory_space<hbm>>
        tpu.wait_indirect_dma semaphore(%run_scoped3A : memref<!tpu.dma_semaphore, #tpu.memory_space<semaphore_mem>>) src(%dma_wait3A_23 : memref<10000x128xf32, #tpu.memory_space<hbm>>) dst(%arg9 : memref<128x128xf32, #tpu.memory_space<vmem>>)
        tpu.yield
      }) : () -> ()
      "tpu.region"() ({
        %run_scoped3A = tpu.sem_alloc : memref<!tpu.dma_semaphore, #tpu.memory_space<semaphore_mem>>
        %dma_start3A = arith.constant 0 : i32
        %dma_start3A_14 = tpu.memref_slice %arg8[%scan3A_13, %dma_start3A] : memref<80x128xi32, #tpu.memory_space<vmem>> -> memref<1x128xi32, #tpu.memory_space<vmem>>
        %dma_start3A_15 = tpu.memref_squeeze %dma_start3A_14 : memref<1x128xi32, #tpu.memory_space<vmem>> -> memref<128xi32, #tpu.memory_space<vmem>>
        %dma_start3A_16 = arith.constant 0 : i32
        %dma_start3A_17 = arith.constant 0 : i32
        %dma_start3A_18 = tpu.memref_slice %arg10[%dma_start3A_16, %dma_start3A_17] : memref<10240x128xf32, #tpu.memory_space<vmem_shared>> -> memref<10240x128xf32, #tpu.memory_space<vmem_shared>>
        tpu.enqueue_indirect_dma source(%arg9 : memref<128x128xf32, #tpu.memory_space<vmem>>) target(%dma_start3A_18 : memref<10240x128xf32, #tpu.memory_space<vmem_shared>>) offsets(%dma_start3A_15 : memref<128xi32, #tpu.memory_space<vmem>>) semaphore(%run_scoped3A : memref<!tpu.dma_semaphore, #tpu.memory_space<semaphore_mem>>) {add = true}
        %dma_wait3A = arith.constant 0 : i32
        %dma_wait3A_19 = tpu.memref_slice %arg8[%scan3A_13, %dma_wait3A] : memref<80x128xi32, #tpu.memory_space<vmem>> -> memref<1x128xi32, #tpu.memory_space<vmem>>
        %dma_wait3A_20 = tpu.memref_squeeze %dma_wait3A_19 : memref<1x128xi32, #tpu.memory_space<vmem>> -> memref<128xi32, #tpu.memory_space<vmem>>
        %dma_wait3A_21 = arith.constant 0 : i32
        %dma_wait3A_22 = arith.constant 0 : i32
        %dma_wait3A_23 = tpu.memref_slice %arg10[%dma_wait3A_21, %dma_wait3A_22] : memref<10240x128xf32, #tpu.memory_space<vmem_shared>> -> memref<10240x128xf32, #tpu.memory_space<vmem_shared>>
        tpu.wait_indirect_dma semaphore(%run_scoped3A : memref<!tpu.dma_semaphore, #tpu.memory_space<semaphore_mem>>) src(%arg9 : memref<128x128xf32, #tpu.memory_space<vmem>>) dst(%dma_wait3A_23 : memref<10240x128xf32, #tpu.memory_space<vmem_shared>>)
        tpu.yield
      }) : () -> ()
    }
    %scan3A_7 = arith.constant 80 : i32
    %barrier3A_8 = arith.constant 0 : index
    tpu.barrier barrier_id(%barrier3A_8)
    %mul3A_9 = arith.constant 624 : i32
    %mul3A_10 = arith.muli %arg1, %mul3A_9 : i32
    "tpu.region"() ({
      %run_scoped3A = tpu.sem_alloc : memref<!tpu.dma_semaphore, #tpu.memory_space<semaphore_mem>>
      %dma_start3A = arith.constant 0 : i32
      %dma_start3A_13 = tpu.memref_slice %arg6[%arg0, %mul3A_10, %dma_start3A] : memref<2x10000x128xf32, #tpu.memory_space<hbm>> -> memref<1x624x128xf32, #tpu.memory_space<hbm>>
      %dma_start3A_14 = tpu.memref_squeeze %dma_start3A_13 : memref<1x624x128xf32, #tpu.memory_space<hbm>> -> memref<624x128xf32, #tpu.memory_space<hbm>>
      %dma_start3A_15 = arith.constant 0 : i32
      %dma_start3A_16 = tpu.memref_slice %arg10[%mul3A_10, %dma_start3A_15] : memref<10240x128xf32, #tpu.memory_space<vmem_shared>> -> memref<624x128xf32, #tpu.memory_space<vmem_shared>>
      tpu.enqueue_dma source(%dma_start3A_16 : memref<624x128xf32, #tpu.memory_space<vmem_shared>>) target(%dma_start3A_14 : memref<624x128xf32, #tpu.memory_space<hbm>>) target_semaphore(%run_scoped3A : memref<!tpu.dma_semaphore, #tpu.memory_space<semaphore_mem>>)
      %dma_wait3A = arith.constant 0 : i32
      %dma_wait3A_17 = tpu.memref_slice %arg6[%arg0, %mul3A_10, %dma_wait3A] : memref<2x10000x128xf32, #tpu.memory_space<hbm>> -> memref<1x624x128xf32, #tpu.memory_space<hbm>>
      %dma_wait3A_18 = tpu.memref_squeeze %dma_wait3A_17 : memref<1x624x128xf32, #tpu.memory_space<hbm>> -> memref<624x128xf32, #tpu.memory_space<hbm>>
      %dma_wait3A_19 = arith.constant 0 : i32
      %dma_wait3A_20 = tpu.memref_slice %arg10[%mul3A_10, %dma_wait3A_19] : memref<10240x128xf32, #tpu.memory_space<vmem_shared>> -> memref<624x128xf32, #tpu.memory_space<vmem_shared>>
      tpu.wait_dma2 semaphore(%run_scoped3A : memref<!tpu.dma_semaphore, #tpu.memory_space<semaphore_mem>>) src(%dma_wait3A_20 : memref<624x128xf32, #tpu.memory_space<vmem_shared>>) dst(%dma_wait3A_18 : memref<624x128xf32, #tpu.memory_space<hbm>>)
      tpu.yield
    }) : () -> ()
    %eq3A = arith.constant 15 : i32
    %eq3A_11 = arith.cmpi eq, %arg1, %eq3A : i32
    %convert_element_type3A = arith.extui %eq3A_11 : i1 to i32
    %cond3A = arith.constant 0 : i32
    %cond3A_12 = arith.cmpi ne, %convert_element_type3A, %cond3A : i32
    scf.if %cond3A_12 {
      "tpu.region"() ({
        %run_scoped3A = tpu.sem_alloc : memref<!tpu.dma_semaphore, #tpu.memory_space<semaphore_mem>>
        %dma_start3A = arith.constant 9984 : i32
        %dma_start3A_13 = arith.constant 0 : i32
        %dma_start3A_14 = tpu.memref_slice %arg6[%arg0, %dma_start3A, %dma_start3A_13] : memref<2x10000x128xf32, #tpu.memory_space<hbm>> -> memref<1x16x128xf32, #tpu.memory_space<hbm>>
        %dma_start3A_15 = tpu.memref_squeeze %dma_start3A_14 : memref<1x16x128xf32, #tpu.memory_space<hbm>> -> memref<16x128xf32, #tpu.memory_space<hbm>>
        %dma_start3A_16 = arith.constant 9984 : i32
        %dma_start3A_17 = arith.constant 0 : i32
        %dma_start3A_18 = tpu.memref_slice %arg10[%dma_start3A_16, %dma_start3A_17] : memref<10240x128xf32, #tpu.memory_space<vmem_shared>> -> memref<16x128xf32, #tpu.memory_space<vmem_shared>>
        tpu.enqueue_dma source(%dma_start3A_18 : memref<16x128xf32, #tpu.memory_space<vmem_shared>>) target(%dma_start3A_15 : memref<16x128xf32, #tpu.memory_space<hbm>>) target_semaphore(%run_scoped3A : memref<!tpu.dma_semaphore, #tpu.memory_space<semaphore_mem>>)
        %dma_wait3A = arith.constant 9984 : i32
        %dma_wait3A_19 = arith.constant 0 : i32
        %dma_wait3A_20 = tpu.memref_slice %arg6[%arg0, %dma_wait3A, %dma_wait3A_19] : memref<2x10000x128xf32, #tpu.memory_space<hbm>> -> memref<1x16x128xf32, #tpu.memory_space<hbm>>
        %dma_wait3A_21 = tpu.memref_squeeze %dma_wait3A_20 : memref<1x16x128xf32, #tpu.memory_space<hbm>> -> memref<16x128xf32, #tpu.memory_space<hbm>>
        %dma_wait3A_22 = arith.constant 9984 : i32
        %dma_wait3A_23 = arith.constant 0 : i32
        %dma_wait3A_24 = tpu.memref_slice %arg10[%dma_wait3A_22, %dma_wait3A_23] : memref<10240x128xf32, #tpu.memory_space<vmem_shared>> -> memref<16x128xf32, #tpu.memory_space<vmem_shared>>
        tpu.wait_dma2 semaphore(%run_scoped3A : memref<!tpu.dma_semaphore, #tpu.memory_space<semaphore_mem>>) src(%dma_wait3A_24 : memref<16x128xf32, #tpu.memory_space<vmem_shared>>) dst(%dma_wait3A_21 : memref<16x128xf32, #tpu.memory_space<hbm>>)
        tpu.yield
      }) : () -> ()
    } else {
    }
    return
  }
}

#map = affine_map<(d0, d1) -> (0, 0, 0)>
#map1 = affine_map<(d0, d1) -> (0, 0)>
module attributes {stable_mosaic.version = 14 : i64} {
  func.func @k(%arg0: i32, %arg1: i32, %arg2: memref<32x80x128xi32, #tpu.memory_space<hbm>>, %arg3: memref<32x80x128xi32, #tpu.memory_space<hbm>>, %arg4: memref<10000x128xf32, #tpu.memory_space<hbm>>, %arg5: memref<10240x128xf32, #tpu.memory_space<hbm>>, %arg6: memref<2x10000x128xf32, #tpu.memory_space<hbm>>, %arg7: memref<80x128xi32, #tpu.memory_space<vmem>>, %arg8: memref<80x128xi32, #tpu.memory_space<vmem>>, %arg9: memref<128x128xf32, #tpu.memory_space<vmem>>, %arg10: memref<10240x128xf32, #tpu.memory_space<vmem_shared>>) attributes {dimension_semantics = [#tpu.dimension_semantics<core_parallel>, #tpu.dimension_semantics<subcore_parallel>], iteration_bounds = array<i64: 2, 16>, scalar_prefetch = 0 : i64, scratch_operands = 4 : i64, tpu.core_type = #tpu.core_type<sc_vector_subcore>, window_params = [{transform_indices = #map}, {transform_indices = #map}, {transform_indices = #map1}, {transform_indices = #map1}, {transform_indices = #map}]} {
    %mul3A = arith.constant 2 : i32
    %mul3A_0 = arith.muli %arg1, %mul3A : i32
    %add3A = arith.addi %mul3A_0, %arg0 : i32
    %mul3A_1 = arith.constant 640 : i32
    %mul3A_2 = arith.muli %arg1, %mul3A_1 : i32
    "tpu.region"() ({
      %run_scoped3A = tpu.sem_alloc : memref<!tpu.dma_semaphore, #tpu.memory_space<semaphore_mem>>
      %dma_start3A = arith.constant 0 : i32
      %dma_start3A_13 = tpu.memref_slice %arg10[%mul3A_2, %dma_start3A] : memref<10240x128xf32, #tpu.memory_space<vmem_shared>> -> memref<640x128xf32, #tpu.memory_space<vmem_shared>>
      %dma_start3A_14 = arith.constant 0 : i32
      %dma_start3A_15 = tpu.memref_slice %arg5[%mul3A_2, %dma_start3A_14] : memref<10240x128xf32, #tpu.memory_space<hbm>> -> memref<640x128xf32, #tpu.memory_space<hbm>>
      tpu.enqueue_dma source(%dma_start3A_15 : memref<640x128xf32, #tpu.memory_space<hbm>>) target(%dma_start3A_13 : memref<640x128xf32, #tpu.memory_space<vmem_shared>>) target_semaphore(%run_scoped3A : memref<!tpu.dma_semaphore, #tpu.memory_space<semaphore_mem>>)
      %dma_wait3A = arith.constant 0 : i32
      %dma_wait3A_16 = tpu.memref_slice %arg10[%mul3A_2, %dma_wait3A] : memref<10240x128xf32, #tpu.memory_space<vmem_shared>> -> memref<640x128xf32, #tpu.memory_space<vmem_shared>>
      %dma_wait3A_17 = arith.constant 0 : i32
      %dma_wait3A_18 = tpu.memref_slice %arg5[%mul3A_2, %dma_wait3A_17] : memref<10240x128xf32, #tpu.memory_space<hbm>> -> memref<640x128xf32, #tpu.memory_space<hbm>>
      tpu.wait_dma2 semaphore(%run_scoped3A : memref<!tpu.dma_semaphore, #tpu.memory_space<semaphore_mem>>) src(%dma_wait3A_18 : memref<640x128xf32, #tpu.memory_space<hbm>>) dst(%dma_wait3A_16 : memref<640x128xf32, #tpu.memory_space<vmem_shared>>)
      tpu.yield
    }) : () -> ()
    "tpu.region"() ({
      %run_scoped3A = tpu.sem_alloc : memref<!tpu.dma_semaphore, #tpu.memory_space<semaphore_mem>>
      %dma_start3A = arith.constant 0 : i32
      %dma_start3A_13 = arith.constant 0 : i32
      %dma_start3A_14 = tpu.memref_slice %arg2[%add3A, %dma_start3A, %dma_start3A_13] : memref<32x80x128xi32, #tpu.memory_space<hbm>> -> memref<1x80x128xi32, #tpu.memory_space<hbm>>
      %dma_start3A_15 = tpu.memref_squeeze %dma_start3A_14 : memref<1x80x128xi32, #tpu.memory_space<hbm>> -> memref<80x128xi32, #tpu.memory_space<hbm>>
      %dma_start3A_16 = arith.constant 0 : i32
      %dma_start3A_17 = arith.constant 0 : i32
      %dma_start3A_18 = tpu.memref_slice %arg2[%add3A, %dma_start3A_16, %dma_start3A_17] : memref<32x80x128xi32, #tpu.memory_space<hbm>> -> memref<1x80x128xi32, #tpu.memory_space<hbm>>
      %dma_start3A_19 = tpu.memref_squeeze %dma_start3A_18 : memref<1x80x128xi32, #tpu.memory_space<hbm>> -> memref<80x128xi32, #tpu.memory_space<hbm>>
      tpu.enqueue_dma source(%dma_start3A_19 : memref<80x128xi32, #tpu.memory_space<hbm>>) target(%arg7 : memref<80x128xi32, #tpu.memory_space<vmem>>) target_semaphore(%run_scoped3A : memref<!tpu.dma_semaphore, #tpu.memory_space<semaphore_mem>>)
      %dma_wait3A = arith.constant 0 : i32
      %dma_wait3A_20 = arith.constant 0 : i32
      %dma_wait3A_21 = tpu.memref_slice %arg2[%add3A, %dma_wait3A, %dma_wait3A_20] : memref<32x80x128xi32, #tpu.memory_space<hbm>> -> memref<1x80x128xi32, #tpu.memory_space<hbm>>
      %dma_wait3A_22 = tpu.memref_squeeze %dma_wait3A_21 : memref<1x80x128xi32, #tpu.memory_space<hbm>> -> memref<80x128xi32, #tpu.memory_space<hbm>>
      %dma_wait3A_23 = arith.constant 0 : i32
      %dma_wait3A_24 = arith.constant 0 : i32
      %dma_wait3A_25 = tpu.memref_slice %arg2[%add3A, %dma_wait3A_23, %dma_wait3A_24] : memref<32x80x128xi32, #tpu.memory_space<hbm>> -> memref<1x80x128xi32, #tpu.memory_space<hbm>>
      %dma_wait3A_26 = tpu.memref_squeeze %dma_wait3A_25 : memref<1x80x128xi32, #tpu.memory_space<hbm>> -> memref<80x128xi32, #tpu.memory_space<hbm>>
      tpu.wait_dma2 semaphore(%run_scoped3A : memref<!tpu.dma_semaphore, #tpu.memory_space<semaphore_mem>>) src(%dma_wait3A_26 : memref<80x128xi32, #tpu.memory_space<hbm>>) dst(%arg7 : memref<80x128xi32, #tpu.memory_space<vmem>>)
      tpu.yield
    }) : () -> ()
    "tpu.region"() ({
      %run_scoped3A = tpu.sem_alloc : memref<!tpu.dma_semaphore, #tpu.memory_space<semaphore_mem>>
      %dma_start3A = arith.constant 0 : i32
      %dma_start3A_13 = arith.constant 0 : i32
      %dma_start3A_14 = tpu.memref_slice %arg3[%add3A, %dma_start3A, %dma_start3A_13] : memref<32x80x128xi32, #tpu.memory_space<hbm>> -> memref<1x80x128xi32, #tpu.memory_space<hbm>>
      %dma_start3A_15 = tpu.memref_squeeze %dma_start3A_14 : memref<1x80x128xi32, #tpu.memory_space<hbm>> -> memref<80x128xi32, #tpu.memory_space<hbm>>
      %dma_start3A_16 = arith.constant 0 : i32
      %dma_start3A_17 = arith.constant 0 : i32
      %dma_start3A_18 = tpu.memref_slice %arg3[%add3A, %dma_start3A_16, %dma_start3A_17] : memref<32x80x128xi32, #tpu.memory_space<hbm>> -> memref<1x80x128xi32, #tpu.memory_space<hbm>>
      %dma_start3A_19 = tpu.memref_squeeze %dma_start3A_18 : memref<1x80x128xi32, #tpu.memory_space<hbm>> -> memref<80x128xi32, #tpu.memory_space<hbm>>
      tpu.enqueue_dma source(%dma_start3A_19 : memref<80x128xi32, #tpu.memory_space<hbm>>) target(%arg8 : memref<80x128xi32, #tpu.memory_space<vmem>>) target_semaphore(%run_scoped3A : memref<!tpu.dma_semaphore, #tpu.memory_space<semaphore_mem>>)
      %dma_wait3A = arith.constant 0 : i32
      %dma_wait3A_20 = arith.constant 0 : i32
      %dma_wait3A_21 = tpu.memref_slice %arg3[%add3A, %dma_wait3A, %dma_wait3A_20] : memref<32x80x128xi32, #tpu.memory_space<hbm>> -> memref<1x80x128xi32, #tpu.memory_space<hbm>>
      %dma_wait3A_22 = tpu.memref_squeeze %dma_wait3A_21 : memref<1x80x128xi32, #tpu.memory_space<hbm>> -> memref<80x128xi32, #tpu.memory_space<hbm>>
      %dma_wait3A_23 = arith.constant 0 : i32
      %dma_wait3A_24 = arith.constant 0 : i32
      %dma_wait3A_25 = tpu.memref_slice %arg3[%add3A, %dma_wait3A_23, %dma_wait3A_24] : memref<32x80x128xi32, #tpu.memory_space<hbm>> -> memref<1x80x128xi32, #tpu.memory_space<hbm>>
      %dma_wait3A_26 = tpu.memref_squeeze %dma_wait3A_25 : memref<1x80x128xi32, #tpu.memory_space<hbm>> -> memref<80x128xi32, #tpu.memory_space<hbm>>
      tpu.wait_dma2 semaphore(%run_scoped3A : memref<!tpu.dma_semaphore, #tpu.memory_space<semaphore_mem>>) src(%dma_wait3A_26 : memref<80x128xi32, #tpu.memory_space<hbm>>) dst(%arg8 : memref<80x128xi32, #tpu.memory_space<vmem>>)
      tpu.yield
    }) : () -> ()
    %barrier3A = arith.constant 0 : index
    tpu.barrier barrier_id(%barrier3A)
    %scan3A = arith.constant 0 : i32
    %scan3A_3 = arith.constant 0 : i32
    %scan3A_4 = arith.constant 80 : i32
    %scan3A_5 = arith.addi %scan3A_3, %scan3A_4 : i32
    %scan3A_6 = arith.constant 1 : i32
    scf.for %scan3A_13 = %scan3A_3 to %scan3A_5 step %scan3A_6  : i32 {
      "tpu.region"() ({
        %run_scoped3A = tpu.sem_alloc : memref<!tpu.dma_semaphore, #tpu.memory_space<semaphore_mem>>
        %dma_start3A = arith.constant 0 : i32
        %dma_start3A_14 = tpu.memref_slice %arg7[%scan3A_13, %dma_start3A] : memref<80x128xi32, #tpu.memory_space<vmem>> -> memref<1x128xi32, #tpu.memory_space<vmem>>
        %dma_start3A_15 = tpu.memref_squeeze %dma_start3A_14 : memref<1x128xi32, #tpu.memory_space<vmem>> -> memref<128xi32, #tpu.memory_space<vmem>>
        %dma_start3A_16 = arith.constant 0 : i32
        %dma_start3A_17 = arith.constant 0 : i32
        %dma_start3A_18 = tpu.memref_slice %arg4[%dma_start3A_16, %dma_start3A_17] : memref<10000x128xf32, #tpu.memory_space<hbm>> -> memref<10000x128xf32, #tpu.memory_space<hbm>>
        tpu.enqueue_indirect_dma source(%dma_start3A_18 : memref<10000x128xf32, #tpu.memory_space<hbm>>) target(%arg9 : memref<128x128xf32, #tpu.memory_space<vmem>>) offsets(%dma_start3A_15 : memref<128xi32, #tpu.memory_space<vmem>>) semaphore(%run_scoped3A : memref<!tpu.dma_semaphore, #tpu.memory_space<semaphore_mem>>)
        %dma_wait3A = arith.constant 0 : i32
        %dma_wait3A_19 = tpu.memref_slice %arg7[%scan3A_13, %dma_wait3A] : memref<80x128xi32, #tpu.memory_space<vmem>> -> memref<1x128xi32, #tpu.memory_space<vmem>>
        %dma_wait3A_20 = tpu.memref_squeeze %dma_wait3A_19 : memref<1x128xi32, #tpu.memory_space<vmem>> -> memref<128xi32, #tpu.memory_space<vmem>>
        %dma_wait3A_21 = arith.constant 0 : i32
        %dma_wait3A_22 = arith.constant 0 : i32
        %dma_wait3A_23 = tpu.memref_slice %arg4[%dma_wait3A_21, %dma_wait3A_22] : memref<10000x128xf32, #tpu.memory_space<hbm>> -> memref<10000x128xf32, #tpu.memory_space<hbm>>
        tpu.wait_indirect_dma semaphore(%run_scoped3A : memref<!tpu.dma_semaphore, #tpu.memory_space<semaphore_mem>>) src(%dma_wait3A_23 : memref<10000x128xf32, #tpu.memory_space<hbm>>) dst(%arg9 : memref<128x128xf32, #tpu.memory_space<vmem>>)
        tpu.yield
      }) : () -> ()
      "tpu.region"() ({
        %run_scoped3A = tpu.sem_alloc : memref<!tpu.dma_semaphore, #tpu.memory_space<semaphore_mem>>
        %dma_start3A = arith.constant 0 : i32
        %dma_start3A_14 = tpu.memref_slice %arg8[%scan3A_13, %dma_start3A] : memref<80x128xi32, #tpu.memory_space<vmem>> -> memref<1x128xi32, #tpu.memory_space<vmem>>
        %dma_start3A_15 = tpu.memref_squeeze %dma_start3A_14 : memref<1x128xi32, #tpu.memory_space<vmem>> -> memref<128xi32, #tpu.memory_space<vmem>>
        %dma_start3A_16 = arith.constant 0 : i32
        %dma_start3A_17 = arith.constant 0 : i32
        %dma_start3A_18 = tpu.memref_slice %arg10[%dma_start3A_16, %dma_start3A_17] : memref<10240x128xf32, #tpu.memory_space<vmem_shared>> -> memref<10240x128xf32, #tpu.memory_space<vmem_shared>>
        tpu.enqueue_indirect_dma source(%arg9 : memref<128x128xf32, #tpu.memory_space<vmem>>) target(%dma_start3A_18 : memref<10240x128xf32, #tpu.memory_space<vmem_shared>>) offsets(%dma_start3A_15 : memref<128xi32, #tpu.memory_space<vmem>>) semaphore(%run_scoped3A : memref<!tpu.dma_semaphore, #tpu.memory_space<semaphore_mem>>) {add = true}
        %dma_wait3A = arith.constant 0 : i32
        %dma_wait3A_19 = tpu.memref_slice %arg8[%scan3A_13, %dma_wait3A] : memref<80x128xi32, #tpu.memory_space<vmem>> -> memref<1x128xi32, #tpu.memory_space<vmem>>
        %dma_wait3A_20 = tpu.memref_squeeze %dma_wait3A_19 : memref<1x128xi32, #tpu.memory_space<vmem>> -> memref<128xi32, #tpu.memory_space<vmem>>
        %dma_wait3A_21 = arith.constant 0 : i32
        %dma_wait3A_22 = arith.constant 0 : i32
        %dma_wait3A_23 = tpu.memref_slice %arg10[%dma_wait3A_21, %dma_wait3A_22] : memref<10240x128xf32, #tpu.memory_space<vmem_shared>> -> memref<10240x128xf32, #tpu.memory_space<vmem_shared>>
        tpu.wait_indirect_dma semaphore(%run_scoped3A : memref<!tpu.dma_semaphore, #tpu.memory_space<semaphore_mem>>) src(%arg9 : memref<128x128xf32, #tpu.memory_space<vmem>>) dst(%dma_wait3A_23 : memref<10240x128xf32, #tpu.memory_space<vmem_shared>>)
        tpu.yield
      }) : () -> ()
    }
    %scan3A_7 = arith.constant 80 : i32
    %barrier3A_8 = arith.constant 0 : index
    tpu.barrier barrier_id(%barrier3A_8)
    %mul3A_9 = arith.constant 624 : i32
    %mul3A_10 = arith.muli %arg1, %mul3A_9 : i32
    "tpu.region"() ({
      %run_scoped3A = tpu.sem_alloc : memref<!tpu.dma_semaphore, #tpu.memory_space<semaphore_mem>>
      %dma_start3A = arith.constant 0 : i32
      %dma_start3A_13 = tpu.memref_slice %arg6[%arg0, %mul3A_10, %dma_start3A] : memref<2x10000x128xf32, #tpu.memory_space<hbm>> -> memref<1x624x128xf32, #tpu.memory_space<hbm>>
      %dma_start3A_14 = tpu.memref_squeeze %dma_start3A_13 : memref<1x624x128xf32, #tpu.memory_space<hbm>> -> memref<624x128xf32, #tpu.memory_space<hbm>>
      %dma_start3A_15 = arith.constant 0 : i32
      %dma_start3A_16 = tpu.memref_slice %arg10[%mul3A_10, %dma_start3A_15] : memref<10240x128xf32, #tpu.memory_space<vmem_shared>> -> memref<624x128xf32, #tpu.memory_space<vmem_shared>>
      tpu.enqueue_dma source(%dma_start3A_16 : memref<624x128xf32, #tpu.memory_space<vmem_shared>>) target(%dma_start3A_14 : memref<624x128xf32, #tpu.memory_space<hbm>>) target_semaphore(%run_scoped3A : memref<!tpu.dma_semaphore, #tpu.memory_space<semaphore_mem>>)
      %dma_wait3A = arith.constant 0 : i32
      %dma_wait3A_17 = tpu.memref_slice %arg6[%arg0, %mul3A_10, %dma_wait3A] : memref<2x10000x128xf32, #tpu.memory_space<hbm>> -> memref<1x624x128xf32, #tpu.memory_space<hbm>>
      %dma_wait3A_18 = tpu.memref_squeeze %dma_wait3A_17 : memref<1x624x128xf32, #tpu.memory_space<hbm>> -> memref<624x128xf32, #tpu.memory_space<hbm>>
      %dma_wait3A_19 = arith.constant 0 : i32
      %dma_wait3A_20 = tpu.memref_slice %arg10[%mul3A_10, %dma_wait3A_19] : memref<10240x128xf32, #tpu.memory_space<vmem_shared>> -> memref<624x128xf32, #tpu.memory_space<vmem_shared>>
      tpu.wait_dma2 semaphore(%run_scoped3A : memref<!tpu.dma_semaphore, #tpu.memory_space<semaphore_mem>>) src(%dma_wait3A_20 : memref<624x128xf32, #tpu.memory_space<vmem_shared>>) dst(%dma_wait3A_18 : memref<624x128xf32, #tpu.memory_space<hbm>>)
      tpu.yield
    }) : () -> ()
    %eq3A = arith.constant 15 : i32
    %eq3A_11 = arith.cmpi eq, %arg1, %eq3A : i32
    %convert_element_type3A = arith.extui %eq3A_11 : i1 to i32
    %cond3A = arith.constant 0 : i32
    %cond3A_12 = arith.cmpi ne, %convert_element_type3A, %cond3A : i32
    scf.if %cond3A_12 {
      "tpu.region"() ({
        %run_scoped3A = tpu.sem_alloc : memref<!tpu.dma_semaphore, #tpu.memory_space<semaphore_mem>>
        %dma_start3A = arith.constant 9984 : i32
        %dma_start3A_13 = arith.constant 0 : i32
        %dma_start3A_14 = tpu.memref_slice %arg6[%arg0, %dma_start3A, %dma_start3A_13] : memref<2x10000x128xf32, #tpu.memory_space<hbm>> -> memref<1x16x128xf32, #tpu.memory_space<hbm>>
        %dma_start3A_15 = tpu.memref_squeeze %dma_start3A_14 : memref<1x16x128xf32, #tpu.memory_space<hbm>> -> memref<16x128xf32, #tpu.memory_space<hbm>>
        %dma_start3A_16 = arith.constant 9984 : i32
        %dma_start3A_17 = arith.constant 0 : i32
        %dma_start3A_18 = tpu.memref_slice %arg10[%dma_start3A_16, %dma_start3A_17] : memref<10240x128xf32, #tpu.memory_space<vmem_shared>> -> memref<16x128xf32, #tpu.memory_space<vmem_shared>>
        tpu.enqueue_dma source(%dma_start3A_18 : memref<16x128xf32, #tpu.memory_space<vmem_shared>>) target(%dma_start3A_15 : memref<16x128xf32, #tpu.memory_space<hbm>>) target_semaphore(%run_scoped3A : memref<!tpu.dma_semaphore, #tpu.memory_space<semaphore_mem>>)
        %dma_wait3A = arith.constant 9984 : i32
        %dma_wait3A_19 = arith.constant 0 : i32
        %dma_wait3A_20 = tpu.memref_slice %arg6[%arg0, %dma_wait3A, %dma_wait3A_19] : memref<2x10000x128xf32, #tpu.memory_space<hbm>> -> memref<1x16x128xf32, #tpu.memory_space<hbm>>
        %dma_wait3A_21 = tpu.memref_squeeze %dma_wait3A_20 : memref<1x16x128xf32, #tpu.memory_space<hbm>> -> memref<16x128xf32, #tpu.memory_space<hbm>>
        %dma_wait3A_22 = arith.constant 9984 : i32
        %dma_wait3A_23 = arith.constant 0 : i32
        %dma_wait3A_24 = tpu.memref_slice %arg10[%dma_wait3A_22, %dma_wait3A_23] : memref<10240x128xf32, #tpu.memory_space<vmem_shared>> -> memref<16x128xf32, #tpu.memory_space<vmem_shared>>
        tpu.wait_dma2 semaphore(%run_scoped3A : memref<!tpu.dma_semaphore, #tpu.memory_space<semaphore_mem>>) src(%dma_wait3A_24 : memref<16x128xf32, #tpu.memory_space<vmem_shared>>) dst(%dma_wait3A_21 : memref<16x128xf32, #tpu.memory_space<hbm>>)
        tpu.yield
      }) : () -> ()
    } else {
    }
    return
  }
}

module attributes {stable_mosaic.version = 14 : i64} {
  func.func @_mlp_pool_body(%arg0: memref<10000x128xf32, #tpu.memory_space<vmem>>, %arg1: memref<2x10000x128xf32, #tpu.memory_space<vmem>>, %arg2: memref<1x10000xi32, #tpu.memory_space<vmem>>, %arg3: memref<128x128xf32, #tpu.memory_space<vmem>>, %arg4: memref<1x128xf32, #tpu.memory_space<vmem>>, %arg5: memref<1x128xf32, #tpu.memory_space<vmem>>, %arg6: memref<1x128xf32, #tpu.memory_space<vmem>>, %arg7: memref<128x128xf32, #tpu.memory_space<vmem>>, %arg8: memref<1x128xf32, #tpu.memory_space<vmem>>, %arg9: memref<1x128xf32, #tpu.memory_space<vmem>>, %arg10: memref<1x128xf32, #tpu.memory_space<vmem>>, %arg11: memref<10000x128xf32, #tpu.memory_space<vmem>>, %arg12: memref<64x128xf32, #tpu.memory_space<vmem>>) attributes {dimension_semantics = [], scalar_prefetch = 0 : i64, scratch_operands = 0 : i64, tpu.core_type = #tpu.core_type<tc>} {
    %get3A = arith.constant 0 : index
    %get3A_0 = arith.constant 0 : index
    %get3A_1 = vector.load %arg0[%get3A, %get3A_0] : memref<10000x128xf32, #tpu.memory_space<vmem>>, vector<10000x128xf32>
    %get3A_2 = arith.constant 0 : index
    %get3A_3 = arith.constant 0 : index
    %get3A_4 = arith.constant 0 : index
    %get3A_5 = vector.load %arg1[%get3A_2, %get3A_3, %get3A_4] : memref<2x10000x128xf32, #tpu.memory_space<vmem>>, vector<1x10000x128xf32>
    %get3A_6 = vector.shape_cast %get3A_5 : vector<1x10000x128xf32> to vector<10000x128xf32>
    %add3A = arith.addf %get3A_1, %get3A_6 : vector<10000x128xf32>
    %get3A_7 = arith.constant 1 : index
    %get3A_8 = arith.constant 0 : index
    %get3A_9 = arith.constant 0 : index
    %get3A_10 = vector.load %arg1[%get3A_7, %get3A_8, %get3A_9] : memref<2x10000x128xf32, #tpu.memory_space<vmem>>, vector<1x10000x128xf32>
    %get3A_11 = vector.shape_cast %get3A_10 : vector<1x10000x128xf32> to vector<10000x128xf32>
    %add3A_12 = arith.addf %add3A, %get3A_11 : vector<10000x128xf32>
    %get3A_13 = arith.constant 0 : index
    %get3A_14 = arith.constant 0 : index
    %get3A_15 = vector.load %arg3[%get3A_13, %get3A_14] : memref<128x128xf32, #tpu.memory_space<vmem>>, vector<128x128xf32>
    %dot_general3A = arith.constant dense<0.000000e+00> : vector<10000x128xf32>
    %dot_general3A_16 = tpu.matmul %add3A_12, %get3A_15, %dot_general3A {dimension_numbers = #tpu.dot_dimension_numbers<[1], [0], [0], [1], [0, 0, 1, 1], [], []>, transpose_lhs_hint = false} : vector<10000x128xf32>, vector<128x128xf32>, vector<10000x128xf32> -> vector<10000x128xf32>
    %get3A_17 = arith.constant 0 : index
    %get3A_18 = arith.constant 0 : index
    %get3A_19 = vector.load %arg4[%get3A_17, %get3A_18] : memref<1x128xf32, #tpu.memory_space<vmem>>, vector<1x128xf32>
    %add3A_20 = vector.broadcast %get3A_19 : vector<1x128xf32> to vector<10000x128xf32>
    %add3A_21 = arith.addf %dot_general3A_16, %add3A_20 : vector<10000x128xf32>
    %reduce_sum3A = arith.constant dense<0.000000e+00> : vector<128xf32>
    %reduce_sum3A_22 = vector.multi_reduction <add>, %add3A_21, %reduce_sum3A [0] : vector<10000x128xf32> to vector<128xf32>
    %broadcast_in_dim3A = vector.shape_cast %reduce_sum3A_22 : vector<128xf32> to vector<1x128xf32>
    %div3A = arith.constant 1.000000e+04 : f32
    %div3A_23 = vector.broadcast %div3A : f32 to vector<1x128xf32>
    %div3A_24 = arith.divf %broadcast_in_dim3A, %div3A_23 : vector<1x128xf32>
    %sub3A = vector.broadcast %div3A_24 : vector<1x128xf32> to vector<10000x128xf32>
    %sub3A_25 = arith.subf %add3A_21, %sub3A : vector<10000x128xf32>
    %sub3A_26 = vector.broadcast %div3A_24 : vector<1x128xf32> to vector<10000x128xf32>
    %sub3A_27 = arith.subf %add3A_21, %sub3A_26 : vector<10000x128xf32>
    %mul3A = arith.mulf %sub3A_25, %sub3A_27 : vector<10000x128xf32>
    %reduce_sum3A_28 = arith.constant dense<0.000000e+00> : vector<128xf32>
    %reduce_sum3A_29 = vector.multi_reduction <add>, %mul3A, %reduce_sum3A_28 [0] : vector<10000x128xf32> to vector<128xf32>
    %broadcast_in_dim3A_30 = vector.shape_cast %reduce_sum3A_29 : vector<128xf32> to vector<1x128xf32>
    %div3A_31 = arith.constant 1.000000e+04 : f32
    %div3A_32 = vector.broadcast %div3A_31 : f32 to vector<1x128xf32>
    %div3A_33 = arith.divf %broadcast_in_dim3A_30, %div3A_32 : vector<1x128xf32>
    %get3A_34 = arith.constant 0 : index
    %get3A_35 = arith.constant 0 : index
    %get3A_36 = vector.load %arg5[%get3A_34, %get3A_35] : memref<1x128xf32, #tpu.memory_space<vmem>>, vector<1x128xf32>
    %sub3A_37 = vector.broadcast %div3A_24 : vector<1x128xf32> to vector<10000x128xf32>
    %sub3A_38 = arith.subf %add3A_21, %sub3A_37 : vector<10000x128xf32>
    %mul3A_39 = vector.broadcast %get3A_36 : vector<1x128xf32> to vector<10000x128xf32>
    %mul3A_40 = arith.mulf %mul3A_39, %sub3A_38 : vector<10000x128xf32>
    %add3A_41 = arith.constant 9.99999974E-6 : f32
    %add3A_42 = vector.broadcast %add3A_41 : f32 to vector<1x128xf32>
    %add3A_43 = arith.addf %div3A_33, %add3A_42 : vector<1x128xf32>
    %rsqrt3A = math.rsqrt %add3A_43 : vector<1x128xf32>
    %mul3A_44 = vector.broadcast %rsqrt3A : vector<1x128xf32> to vector<10000x128xf32>
    %mul3A_45 = arith.mulf %mul3A_40, %mul3A_44 : vector<10000x128xf32>
    %get3A_46 = arith.constant 0 : index
    %get3A_47 = arith.constant 0 : index
    %get3A_48 = vector.load %arg6[%get3A_46, %get3A_47] : memref<1x128xf32, #tpu.memory_space<vmem>>, vector<1x128xf32>
    %add3A_49 = vector.broadcast %get3A_48 : vector<1x128xf32> to vector<10000x128xf32>
    %add3A_50 = arith.addf %mul3A_45, %add3A_49 : vector<10000x128xf32>
    %max3A = arith.constant 0.000000e+00 : f32
    %max3A_51 = vector.broadcast %max3A : f32 to vector<10000x128xf32>
    %max3A_52 = arith.maximumf %add3A_50, %max3A_51 : vector<10000x128xf32>
    %get3A_53 = arith.constant 0 : index
    %get3A_54 = arith.constant 0 : index
    %get3A_55 = vector.load %arg7[%get3A_53, %get3A_54] : memref<128x128xf32, #tpu.memory_space<vmem>>, vector<128x128xf32>
    %dot_general3A_56 = arith.constant dense<0.000000e+00> : vector<10000x128xf32>
    %dot_general3A_57 = tpu.matmul %max3A_52, %get3A_55, %dot_general3A_56 {dimension_numbers = #tpu.dot_dimension_numbers<[1], [0], [0], [1], [0, 0, 1, 1], [], []>, transpose_lhs_hint = false} : vector<10000x128xf32>, vector<128x128xf32>, vector<10000x128xf32> -> vector<10000x128xf32>
    %get3A_58 = arith.constant 0 : index
    %get3A_59 = arith.constant 0 : index
    %get3A_60 = vector.load %arg8[%get3A_58, %get3A_59] : memref<1x128xf32, #tpu.memory_space<vmem>>, vector<1x128xf32>
    %add3A_61 = vector.broadcast %get3A_60 : vector<1x128xf32> to vector<10000x128xf32>
    %add3A_62 = arith.addf %dot_general3A_57, %add3A_61 : vector<10000x128xf32>
    %reduce_sum3A_63 = arith.constant dense<0.000000e+00> : vector<128xf32>
    %reduce_sum3A_64 = vector.multi_reduction <add>, %add3A_62, %reduce_sum3A_63 [0] : vector<10000x128xf32> to vector<128xf32>
    %broadcast_in_dim3A_65 = vector.shape_cast %reduce_sum3A_64 : vector<128xf32> to vector<1x128xf32>
    %div3A_66 = arith.constant 1.000000e+04 : f32
    %div3A_67 = vector.broadcast %div3A_66 : f32 to vector<1x128xf32>
    %div3A_68 = arith.divf %broadcast_in_dim3A_65, %div3A_67 : vector<1x128xf32>
    %sub3A_69 = vector.broadcast %div3A_68 : vector<1x128xf32> to vector<10000x128xf32>
    %sub3A_70 = arith.subf %add3A_62, %sub3A_69 : vector<10000x128xf32>
    %sub3A_71 = vector.broadcast %div3A_68 : vector<1x128xf32> to vector<10000x128xf32>
    %sub3A_72 = arith.subf %add3A_62, %sub3A_71 : vector<10000x128xf32>
    %mul3A_73 = arith.mulf %sub3A_70, %sub3A_72 : vector<10000x128xf32>
    %reduce_sum3A_74 = arith.constant dense<0.000000e+00> : vector<128xf32>
    %reduce_sum3A_75 = vector.multi_reduction <add>, %mul3A_73, %reduce_sum3A_74 [0] : vector<10000x128xf32> to vector<128xf32>
    %broadcast_in_dim3A_76 = vector.shape_cast %reduce_sum3A_75 : vector<128xf32> to vector<1x128xf32>
    %div3A_77 = arith.constant 1.000000e+04 : f32
    %div3A_78 = vector.broadcast %div3A_77 : f32 to vector<1x128xf32>
    %div3A_79 = arith.divf %broadcast_in_dim3A_76, %div3A_78 : vector<1x128xf32>
    %get3A_80 = arith.constant 0 : index
    %get3A_81 = arith.constant 0 : index
    %get3A_82 = vector.load %arg9[%get3A_80, %get3A_81] : memref<1x128xf32, #tpu.memory_space<vmem>>, vector<1x128xf32>
    %sub3A_83 = vector.broadcast %div3A_68 : vector<1x128xf32> to vector<10000x128xf32>
    %sub3A_84 = arith.subf %add3A_62, %sub3A_83 : vector<10000x128xf32>
    %mul3A_85 = vector.broadcast %get3A_82 : vector<1x128xf32> to vector<10000x128xf32>
    %mul3A_86 = arith.mulf %mul3A_85, %sub3A_84 : vector<10000x128xf32>
    %add3A_87 = arith.constant 9.99999974E-6 : f32
    %add3A_88 = vector.broadcast %add3A_87 : f32 to vector<1x128xf32>
    %add3A_89 = arith.addf %div3A_79, %add3A_88 : vector<1x128xf32>
    %rsqrt3A_90 = math.rsqrt %add3A_89 : vector<1x128xf32>
    %mul3A_91 = vector.broadcast %rsqrt3A_90 : vector<1x128xf32> to vector<10000x128xf32>
    %mul3A_92 = arith.mulf %mul3A_86, %mul3A_91 : vector<10000x128xf32>
    %get3A_93 = arith.constant 0 : index
    %get3A_94 = arith.constant 0 : index
    %get3A_95 = vector.load %arg10[%get3A_93, %get3A_94] : memref<1x128xf32, #tpu.memory_space<vmem>>, vector<1x128xf32>
    %add3A_96 = vector.broadcast %get3A_95 : vector<1x128xf32> to vector<10000x128xf32>
    %add3A_97 = arith.addf %mul3A_92, %add3A_96 : vector<10000x128xf32>
    %max3A_98 = arith.constant 0.000000e+00 : f32
    %max3A_99 = vector.broadcast %max3A_98 : f32 to vector<10000x128xf32>
    %max3A_100 = arith.maximumf %add3A_97, %max3A_99 : vector<10000x128xf32>
    %swap3A = arith.constant 0 : index
    %swap3A_101 = arith.constant 0 : index
    %swap3A_102 = vector.load %arg11[%swap3A, %swap3A_101] : memref<10000x128xf32, #tpu.memory_space<vmem>>, vector<10000x128xf32>
    tpu.vector_store %arg11[%swap3A, %swap3A_101], %max3A_100 {strides = array<i32>} : memref<10000x128xf32, #tpu.memory_space<vmem>>, vector<10000x128xf32>,
    %iota3A = tpu.iota {dimensions = array<i32: 0>} : vector<64x10000xi32>
    %get3A_103 = arith.constant 0 : index
    %get3A_104 = arith.constant 0 : index
    %get3A_105 = vector.load %arg2[%get3A_103, %get3A_104] : memref<1x10000xi32, #tpu.memory_space<vmem>>, vector<1x10000xi32>
    %eq3A = vector.broadcast %get3A_105 : vector<1x10000xi32> to vector<64x10000xi32>
    %eq3A_106 = arith.cmpi eq, %iota3A, %eq3A : vector<64x10000xi32>
    %convert_element_type3A = arith.extui %eq3A_106 : vector<64x10000xi1> to vector<64x10000xi32>
    %convert_element_type3A_107 = arith.sitofp %convert_element_type3A : vector<64x10000xi32> to vector<64x10000xf32>
    %dot_general3A_108 = arith.constant dense<0.000000e+00> : vector<64x128xf32>
    %dot_general3A_109 = tpu.matmul %convert_element_type3A_107, %max3A_100, %dot_general3A_108 {dimension_numbers = #tpu.dot_dimension_numbers<[1], [0], [0], [1], [0, 0, 1, 1], [], []>, transpose_lhs_hint = false} : vector<64x10000xf32>, vector<10000x128xf32>, vector<64x128xf32> -> vector<64x128xf32>
    %swap3A_110 = arith.constant 0 : index
    %swap3A_111 = arith.constant 0 : index
    %swap3A_112 = vector.load %arg12[%swap3A_110, %swap3A_111] : memref<64x128xf32, #tpu.memory_space<vmem>>, vector<64x128xf32>
    tpu.vector_store %arg12[%swap3A_110, %swap3A_111], %dot_general3A_109 {strides = array<i32>} : memref<64x128xf32, #tpu.memory_space<vmem>>, vector<64x128xf32>,
    return
  }
}

module attributes {stable_mosaic.version = 14 : i64} {
  func.func @_mlp_pool_body(%arg0: memref<10000x128xf32, #tpu.memory_space<vmem>>, %arg1: memref<2x10000x128xf32, #tpu.memory_space<vmem>>, %arg2: memref<1x10000xi32, #tpu.memory_space<vmem>>, %arg3: memref<128x128xf32, #tpu.memory_space<vmem>>, %arg4: memref<1x128xf32, #tpu.memory_space<vmem>>, %arg5: memref<1x128xf32, #tpu.memory_space<vmem>>, %arg6: memref<1x128xf32, #tpu.memory_space<vmem>>, %arg7: memref<128x128xf32, #tpu.memory_space<vmem>>, %arg8: memref<1x128xf32, #tpu.memory_space<vmem>>, %arg9: memref<1x128xf32, #tpu.memory_space<vmem>>, %arg10: memref<1x128xf32, #tpu.memory_space<vmem>>, %arg11: memref<10000x128xf32, #tpu.memory_space<vmem>>, %arg12: memref<64x128xf32, #tpu.memory_space<vmem>>) attributes {dimension_semantics = [], scalar_prefetch = 0 : i64, scratch_operands = 0 : i64, tpu.core_type = #tpu.core_type<tc>} {
    %get3A = arith.constant 0 : index
    %get3A_0 = arith.constant 0 : index
    %get3A_1 = vector.load %arg0[%get3A, %get3A_0] : memref<10000x128xf32, #tpu.memory_space<vmem>>, vector<10000x128xf32>
    %get3A_2 = arith.constant 0 : index
    %get3A_3 = arith.constant 0 : index
    %get3A_4 = arith.constant 0 : index
    %get3A_5 = vector.load %arg1[%get3A_2, %get3A_3, %get3A_4] : memref<2x10000x128xf32, #tpu.memory_space<vmem>>, vector<1x10000x128xf32>
    %get3A_6 = vector.shape_cast %get3A_5 : vector<1x10000x128xf32> to vector<10000x128xf32>
    %add3A = arith.addf %get3A_1, %get3A_6 : vector<10000x128xf32>
    %get3A_7 = arith.constant 1 : index
    %get3A_8 = arith.constant 0 : index
    %get3A_9 = arith.constant 0 : index
    %get3A_10 = vector.load %arg1[%get3A_7, %get3A_8, %get3A_9] : memref<2x10000x128xf32, #tpu.memory_space<vmem>>, vector<1x10000x128xf32>
    %get3A_11 = vector.shape_cast %get3A_10 : vector<1x10000x128xf32> to vector<10000x128xf32>
    %add3A_12 = arith.addf %add3A, %get3A_11 : vector<10000x128xf32>
    %get3A_13 = arith.constant 0 : index
    %get3A_14 = arith.constant 0 : index
    %get3A_15 = vector.load %arg3[%get3A_13, %get3A_14] : memref<128x128xf32, #tpu.memory_space<vmem>>, vector<128x128xf32>
    %dot_general3A = arith.constant dense<0.000000e+00> : vector<10000x128xf32>
    %dot_general3A_16 = tpu.matmul %add3A_12, %get3A_15, %dot_general3A {dimension_numbers = #tpu.dot_dimension_numbers<[1], [0], [0], [1], [0, 0, 1, 1], [], []>, transpose_lhs_hint = false} : vector<10000x128xf32>, vector<128x128xf32>, vector<10000x128xf32> -> vector<10000x128xf32>
    %get3A_17 = arith.constant 0 : index
    %get3A_18 = arith.constant 0 : index
    %get3A_19 = vector.load %arg4[%get3A_17, %get3A_18] : memref<1x128xf32, #tpu.memory_space<vmem>>, vector<1x128xf32>
    %add3A_20 = vector.broadcast %get3A_19 : vector<1x128xf32> to vector<10000x128xf32>
    %add3A_21 = arith.addf %dot_general3A_16, %add3A_20 : vector<10000x128xf32>
    %reduce_sum3A = arith.constant dense<0.000000e+00> : vector<128xf32>
    %reduce_sum3A_22 = vector.multi_reduction <add>, %add3A_21, %reduce_sum3A [0] : vector<10000x128xf32> to vector<128xf32>
    %broadcast_in_dim3A = vector.shape_cast %reduce_sum3A_22 : vector<128xf32> to vector<1x128xf32>
    %div3A = arith.constant 1.000000e+04 : f32
    %div3A_23 = vector.broadcast %div3A : f32 to vector<1x128xf32>
    %div3A_24 = arith.divf %broadcast_in_dim3A, %div3A_23 : vector<1x128xf32>
    %sub3A = vector.broadcast %div3A_24 : vector<1x128xf32> to vector<10000x128xf32>
    %sub3A_25 = arith.subf %add3A_21, %sub3A : vector<10000x128xf32>
    %sub3A_26 = vector.broadcast %div3A_24 : vector<1x128xf32> to vector<10000x128xf32>
    %sub3A_27 = arith.subf %add3A_21, %sub3A_26 : vector<10000x128xf32>
    %mul3A = arith.mulf %sub3A_25, %sub3A_27 : vector<10000x128xf32>
    %reduce_sum3A_28 = arith.constant dense<0.000000e+00> : vector<128xf32>
    %reduce_sum3A_29 = vector.multi_reduction <add>, %mul3A, %reduce_sum3A_28 [0] : vector<10000x128xf32> to vector<128xf32>
    %broadcast_in_dim3A_30 = vector.shape_cast %reduce_sum3A_29 : vector<128xf32> to vector<1x128xf32>
    %div3A_31 = arith.constant 1.000000e+04 : f32
    %div3A_32 = vector.broadcast %div3A_31 : f32 to vector<1x128xf32>
    %div3A_33 = arith.divf %broadcast_in_dim3A_30, %div3A_32 : vector<1x128xf32>
    %get3A_34 = arith.constant 0 : index
    %get3A_35 = arith.constant 0 : index
    %get3A_36 = vector.load %arg5[%get3A_34, %get3A_35] : memref<1x128xf32, #tpu.memory_space<vmem>>, vector<1x128xf32>
    %sub3A_37 = vector.broadcast %div3A_24 : vector<1x128xf32> to vector<10000x128xf32>
    %sub3A_38 = arith.subf %add3A_21, %sub3A_37 : vector<10000x128xf32>
    %mul3A_39 = vector.broadcast %get3A_36 : vector<1x128xf32> to vector<10000x128xf32>
    %mul3A_40 = arith.mulf %mul3A_39, %sub3A_38 : vector<10000x128xf32>
    %add3A_41 = arith.constant 9.99999974E-6 : f32
    %add3A_42 = vector.broadcast %add3A_41 : f32 to vector<1x128xf32>
    %add3A_43 = arith.addf %div3A_33, %add3A_42 : vector<1x128xf32>
    %rsqrt3A = math.rsqrt %add3A_43 : vector<1x128xf32>
    %mul3A_44 = vector.broadcast %rsqrt3A : vector<1x128xf32> to vector<10000x128xf32>
    %mul3A_45 = arith.mulf %mul3A_40, %mul3A_44 : vector<10000x128xf32>
    %get3A_46 = arith.constant 0 : index
    %get3A_47 = arith.constant 0 : index
    %get3A_48 = vector.load %arg6[%get3A_46, %get3A_47] : memref<1x128xf32, #tpu.memory_space<vmem>>, vector<1x128xf32>
    %add3A_49 = vector.broadcast %get3A_48 : vector<1x128xf32> to vector<10000x128xf32>
    %add3A_50 = arith.addf %mul3A_45, %add3A_49 : vector<10000x128xf32>
    %max3A = arith.constant 0.000000e+00 : f32
    %max3A_51 = vector.broadcast %max3A : f32 to vector<10000x128xf32>
    %max3A_52 = arith.maximumf %add3A_50, %max3A_51 : vector<10000x128xf32>
    %get3A_53 = arith.constant 0 : index
    %get3A_54 = arith.constant 0 : index
    %get3A_55 = vector.load %arg7[%get3A_53, %get3A_54] : memref<128x128xf32, #tpu.memory_space<vmem>>, vector<128x128xf32>
    %dot_general3A_56 = arith.constant dense<0.000000e+00> : vector<10000x128xf32>
    %dot_general3A_57 = tpu.matmul %max3A_52, %get3A_55, %dot_general3A_56 {dimension_numbers = #tpu.dot_dimension_numbers<[1], [0], [0], [1], [0, 0, 1, 1], [], []>, transpose_lhs_hint = false} : vector<10000x128xf32>, vector<128x128xf32>, vector<10000x128xf32> -> vector<10000x128xf32>
    %get3A_58 = arith.constant 0 : index
    %get3A_59 = arith.constant 0 : index
    %get3A_60 = vector.load %arg8[%get3A_58, %get3A_59] : memref<1x128xf32, #tpu.memory_space<vmem>>, vector<1x128xf32>
    %add3A_61 = vector.broadcast %get3A_60 : vector<1x128xf32> to vector<10000x128xf32>
    %add3A_62 = arith.addf %dot_general3A_57, %add3A_61 : vector<10000x128xf32>
    %reduce_sum3A_63 = arith.constant dense<0.000000e+00> : vector<128xf32>
    %reduce_sum3A_64 = vector.multi_reduction <add>, %add3A_62, %reduce_sum3A_63 [0] : vector<10000x128xf32> to vector<128xf32>
    %broadcast_in_dim3A_65 = vector.shape_cast %reduce_sum3A_64 : vector<128xf32> to vector<1x128xf32>
    %div3A_66 = arith.constant 1.000000e+04 : f32
    %div3A_67 = vector.broadcast %div3A_66 : f32 to vector<1x128xf32>
    %div3A_68 = arith.divf %broadcast_in_dim3A_65, %div3A_67 : vector<1x128xf32>
    %sub3A_69 = vector.broadcast %div3A_68 : vector<1x128xf32> to vector<10000x128xf32>
    %sub3A_70 = arith.subf %add3A_62, %sub3A_69 : vector<10000x128xf32>
    %sub3A_71 = vector.broadcast %div3A_68 : vector<1x128xf32> to vector<10000x128xf32>
    %sub3A_72 = arith.subf %add3A_62, %sub3A_71 : vector<10000x128xf32>
    %mul3A_73 = arith.mulf %sub3A_70, %sub3A_72 : vector<10000x128xf32>
    %reduce_sum3A_74 = arith.constant dense<0.000000e+00> : vector<128xf32>
    %reduce_sum3A_75 = vector.multi_reduction <add>, %mul3A_73, %reduce_sum3A_74 [0] : vector<10000x128xf32> to vector<128xf32>
    %broadcast_in_dim3A_76 = vector.shape_cast %reduce_sum3A_75 : vector<128xf32> to vector<1x128xf32>
    %div3A_77 = arith.constant 1.000000e+04 : f32
    %div3A_78 = vector.broadcast %div3A_77 : f32 to vector<1x128xf32>
    %div3A_79 = arith.divf %broadcast_in_dim3A_76, %div3A_78 : vector<1x128xf32>
    %get3A_80 = arith.constant 0 : index
    %get3A_81 = arith.constant 0 : index
    %get3A_82 = vector.load %arg9[%get3A_80, %get3A_81] : memref<1x128xf32, #tpu.memory_space<vmem>>, vector<1x128xf32>
    %sub3A_83 = vector.broadcast %div3A_68 : vector<1x128xf32> to vector<10000x128xf32>
    %sub3A_84 = arith.subf %add3A_62, %sub3A_83 : vector<10000x128xf32>
    %mul3A_85 = vector.broadcast %get3A_82 : vector<1x128xf32> to vector<10000x128xf32>
    %mul3A_86 = arith.mulf %mul3A_85, %sub3A_84 : vector<10000x128xf32>
    %add3A_87 = arith.constant 9.99999974E-6 : f32
    %add3A_88 = vector.broadcast %add3A_87 : f32 to vector<1x128xf32>
    %add3A_89 = arith.addf %div3A_79, %add3A_88 : vector<1x128xf32>
    %rsqrt3A_90 = math.rsqrt %add3A_89 : vector<1x128xf32>
    %mul3A_91 = vector.broadcast %rsqrt3A_90 : vector<1x128xf32> to vector<10000x128xf32>
    %mul3A_92 = arith.mulf %mul3A_86, %mul3A_91 : vector<10000x128xf32>
    %get3A_93 = arith.constant 0 : index
    %get3A_94 = arith.constant 0 : index
    %get3A_95 = vector.load %arg10[%get3A_93, %get3A_94] : memref<1x128xf32, #tpu.memory_space<vmem>>, vector<1x128xf32>
    %add3A_96 = vector.broadcast %get3A_95 : vector<1x128xf32> to vector<10000x128xf32>
    %add3A_97 = arith.addf %mul3A_92, %add3A_96 : vector<10000x128xf32>
    %max3A_98 = arith.constant 0.000000e+00 : f32
    %max3A_99 = vector.broadcast %max3A_98 : f32 to vector<10000x128xf32>
    %max3A_100 = arith.maximumf %add3A_97, %max3A_99 : vector<10000x128xf32>
    %swap3A = arith.constant 0 : index
    %swap3A_101 = arith.constant 0 : index
    %swap3A_102 = vector.load %arg11[%swap3A, %swap3A_101] : memref<10000x128xf32, #tpu.memory_space<vmem>>, vector<10000x128xf32>
    tpu.vector_store %arg11[%swap3A, %swap3A_101], %max3A_100 {strides = array<i32>} : memref<10000x128xf32, #tpu.memory_space<vmem>>, vector<10000x128xf32>,
    %iota3A = tpu.iota {dimensions = array<i32: 0>} : vector<64x10000xi32>
    %get3A_103 = arith.constant 0 : index
    %get3A_104 = arith.constant 0 : index
    %get3A_105 = vector.load %arg2[%get3A_103, %get3A_104] : memref<1x10000xi32, #tpu.memory_space<vmem>>, vector<1x10000xi32>
    %eq3A = vector.broadcast %get3A_105 : vector<1x10000xi32> to vector<64x10000xi32>
    %eq3A_106 = arith.cmpi eq, %iota3A, %eq3A : vector<64x10000xi32>
    %convert_element_type3A = arith.extui %eq3A_106 : vector<64x10000xi1> to vector<64x10000xi32>
    %convert_element_type3A_107 = arith.sitofp %convert_element_type3A : vector<64x10000xi32> to vector<64x10000xf32>
    %dot_general3A_108 = arith.constant dense<0.000000e+00> : vector<64x128xf32>
    %dot_general3A_109 = tpu.matmul %convert_element_type3A_107, %max3A_100, %dot_general3A_108 {dimension_numbers = #tpu.dot_dimension_numbers<[1], [0], [0], [1], [0, 0, 1, 1], [], []>, transpose_lhs_hint = false} : vector<64x10000xf32>, vector<10000x128xf32>, vector<64x128xf32> -> vector<64x128xf32>
    %swap3A_110 = arith.constant 0 : index
    %swap3A_111 = arith.constant 0 : index
    %swap3A_112 = vector.load %arg12[%swap3A_110, %swap3A_111] : memref<64x128xf32, #tpu.memory_space<vmem>>, vector<64x128xf32>
    tpu.vector_store %arg12[%swap3A_110, %swap3A_111], %dot_general3A_109 {strides = array<i32>} : memref<64x128xf32, #tpu.memory_space<vmem>>, vector<64x128xf32>,
    return
  }
}

</mosaic_0001>

<sc_bundles>
// kernel: kernel.6.cloned.1.call-start
scs
__scs_entry_jumppad:
0x0: {  	(pc) =	sbr.rel $0x88, $3  }
0x1: {  	(tag) =	ssettag $0x0;
	lr =	simm.s32 $0x1  }
0x2: {  	[smem:$0x3F8E] =	sst lr;
	_ =	strace $0xD0000000  }
0x3: {  	_ = 	snop  }
0x4: {  	_ = 	snop  }
0x5: {  	_ = 	snop  }
0x6: {  	_ = 	snop  }
0x7: {  	_ = 	snop  }
__scs_overlays_trampoline_lowered:
0x8: {  	[smem:$0x3F9D] =	sst s0  }
0x9: {  	[smem:$0x3F9E] =	sst s1  }
0xa: {  	[smem:$0x3F9F] =	sst s2  }
0xb: {  	[smem:$0x3FA0] =	sst s3  }
0xc: {  	[smem:$0x3FA1] =	sst s4  }
0xd: {  	[smem:$0x3FA2] =	sst s5  }
0xe: {  	[smem:$0x3FA3] =	sst s6  }
0xf: {  	[smem:$0x3FA4] =	sst s7  }
0x10: {  	[smem:$0x3FA5] =	sst s8  }
0x11: {  	[smem:$0x3FA6] =	sst s9;
	s0 =	simm.s32 @!p0 $0x0  }
0x12: {  	s1 =	sld [smem:$0x3F8C];
	s0 =	simm.s32 @p0 $0x1  }
0x13: {  	[smem:$0x3FA7] =	sst s0;
	s0 =	simm.s32 @!p1 $0x0  }
0x14: {  	s2 =	sld [smem:$0x3F8B];
	s0 =	simm.s32 @p1 $0x1  }
0x15: {  	[smem:$0x3FA8] =	sst s0;
	s0 =	simm.s32 @!p2 $0x0  }
0x16: {  	s3 =	sld [smem:$0x3FDB];
	s0 =	simm.s32 @p2 $0x1  }
0x17: {  	s4 =	simm.s32 $0x1BF5;
	[smem:$0x3FAA] =	sst s0  }
0x18: {  	s0 =	sld [smem:$0x3F8D];
	_ =	swait.ge [sflag:s4], $0x0  }
0x19: {  	s7 =	sld [smem:$0x3F8E]  }
0x1a: {  	s8 =	sadd.s32 $0xFFFFE003, lr  }
0x1b: {  	s9 =	sadd.s32 $0xFFFFFEF7, lr;
	s5 =	simm.s32 $0xFFFFFFFF;
	p2 =	slt.u32 s8, $0xFFFFF086  }
0x1c: {  	p1 =	slt.u32 s9, $0xF7A;
	s5 =	simm.s32 @!p2 $0x0  }
0x1d: {  	s5 =	simm.s32 @p1 $0x1;
	p0 =	seq.s32 s7, s2  }
0x1e: {  	s7 =	smul.u32 @!p0 $0xF7A, s2;
	p2 =	seq.s32 @!p0 s5, $0x0  }
0x1f: {  	s9 =	smul.u32 $0xF7A, s1;
	s8 =	simm.s32 @!p0 $0x1BF5;
	p2 =	por !p2, p0  }
0x20: {  	[sflag:s8] =	ssyncset.s32 @!p0 $0xFFFFF086;
	s6 =	sadd.s32 @!p0 s3, s7;
	s7 =	simm.s32 @!p0 $0x108  }
0x21: {  	s3 =	sadd.s32 s3, s9;
	s6 =	sadd.s32 @!p0 $0x88, s6;
	s7 =	simm.s32 @p2 $0x1082  }
0x22: {  	[simem:s7], [sflag:s8] =	dma.local @!p0 [hbm:s6], $0xF7A  }
0x23: {  	s9 =	sor.u32 $0xD0000000, s2;
	s6 =	simm.s32 $0x108;
	_ =	swait.ge @!p0 [sflag:s8], $0x0  }
0x24: {  	s3 =	sadd.s32 $0x88, s3;
	s6 =	simm.s32 @!p1 $0x1082;
	[sflag:s4] =	ssyncset.s32 $0xFFFFF086  }
0x25: {  	[simem:s6], [sflag:s4] =	dma.local [hbm:s3], $0xF7A  }
0x26: {  	[smem:$0x3F8E] =	sst s1;
	(tag) =	ssettag s2;
	_ =	strace s9  }
0x27: {  	s1 =	sld [smem:$0x3F9E]  }
0x28: {  	s2 =	sld [smem:$0x3F9F]  }
0x29: {  	s4 =	sld [smem:$0x3FA1]  }
0x2a: {  	p0 =	seq.s32 s5, $0x0;
	s5 =	sld [smem:$0x3FA2]  }
0x2b: {  	s6 =	sld [smem:$0x3FA3]  }
0x2c: {  	s7 =	sld [smem:$0x3FA4]  }
0x2d: {  	s3 =	simm.s32 $0x108;
	s8 =	sld [smem:$0x3FA5]  }
0x2e: {  	s3 =	simm.s32 @!p0 $0x1082;
	s9 =	sld [smem:$0x3FA6]  }
0x2f: {  	lr =	sadd.s32 s0, s3;
	s0 =	sld [smem:$0x3F9D]  }
0x30: {  	s3 =	sld [smem:$0x3FA0]  }
0x31: {  	[smem:$0x3FA9] =	sst s10  }
0x32: {  	s10 =	sld [smem:$0x3FA7];
	_ =	sdelay $0x3  }
0x33: {  	p0 =	seq.s32 s10, $0x1;
	s10 =	sld [smem:$0x3FA9];
	_ =	sdelay $0x3  }
0x34: {  	[smem:$0x3FA9] =	sst s10  }
0x35: {  	s10 =	sld [smem:$0x3FA8];
	_ =	sdelay $0x3  }
0x36: {  	p1 =	seq.s32 s10, $0x1;
	s10 =	sld [smem:$0x3FA9];
	_ =	sdelay $0x3  }
0x37: {  	[smem:$0x3FA9] =	sst s10  }
0x38: {  	s10 =	sld [smem:$0x3FAA]  }
0x39: {  	_ = 	snop;
	(pc) =	sbr.ind lr, $3  }
0x3a: {  	_ = 	snop  }
0x3b: {  	_ = 	snop  }
0x3c: {  	p2 =	seq.s32 s10, $0x1;
	s10 =	sld [smem:$0x3FA9]  }
0x3d: {  	_ =	shalt  }
0x3e: {  	_ =	shalt  }
0x3f: {  	_ =	shalt  }
0x40: {  	_ =	shalt  }
0x41: {  	_ =	shalt  }
0x42: {  	_ =	shalt  }
0x43: {  	_ =	shalt  }
0x44: {  	_ =	shalt  }
0x45: {  	_ =	shalt  }
0x46: {  	_ =	shalt  }
0x47: {  	_ =	shalt  }
0x48: {  	_ =	shalt  }
0x49: {  	_ =	shalt  }
0x4a: {  	_ =	shalt  }
0x4b: {  	_ =	shalt  }
0x4c: {  	_ =	shalt  }
0x4d: {  	_ =	shalt  }
0x4e: {  	_ =	shalt  }
0x4f: {  	_ =	shalt  }
0x50: {  	_ =	shalt  }
0x51: {  	_ =	shalt  }
0x52: {  	_ =	shalt  }
0x53: {  	_ =	shalt  }
0x54: {  	_ =	shalt  }
0x55: {  	_ =	shalt  }
0x56: {  	_ =	shalt  }
0x57: {  	_ =	shalt  }
0x58: {  	_ =	shalt  }
0x59: {  	_ =	shalt  }
0x5a: {  	_ =	shalt  }
0x5b: {  	_ =	shalt  }
0x5c: {  	_ =	shalt  }
0x5d: {  	_ =	shalt  }
0x5e: {  	_ =	shalt  }
0x5f: {  	_ =	shalt  }
0x60: {  	_ =	shalt  }
0x61: {  	_ =	shalt  }
0x62: {  	_ =	shalt  }
0x63: {  	_ =	shalt  }
0x64: {  	_ =	shalt  }
0x65: {  	_ =	shalt  }
0x66: {  	_ =	shalt  }
0x67: {  	_ =	shalt  }
0x68: {  	_ =	shalt  }
0x69: {  	_ =	shalt  }
0x6a: {  	_ =	shalt  }
0x6b: {  	_ =	shalt  }
0x6c: {  	_ =	shalt  }
0x6d: {  	_ =	shalt  }
0x6e: {  	_ =	shalt  }
0x6f: {  	_ =	shalt  }
0x70: {  	_ =	shalt  }
0x71: {  	_ =	shalt  }
0x72: {  	_ =	shalt  }
0x73: {  	_ =	shalt  }
0x74: {  	_ =	shalt  }
0x75: {  	_ =	shalt  }
0x76: {  	_ =	shalt  }
0x77: {  	_ =	shalt  }
0x78: {  	_ =	shalt  }
0x79: {  	_ =	shalt  }
0x7a: {  	_ =	shalt  }
0x7b: {  	_ =	shalt  }
0x7c: {  	_ =	shalt  }
0x7d: {  	_ =	shalt  }
0x7e: {  	_ =	shalt  }
0x7f: {  	_ =	shalt  }
0x80: {  	_ =	shalt  }
0x81: {  	_ =	shalt  }
0x82: {  	_ =	shalt  }
0x83: {  	_ =	shalt  }
0x84: {  	_ =	shalt  }
0x85: {  	_ =	shalt  }
0x86: {  	_ =	shalt  }
0x87: {  	_ =	shalt  }
.Lfunc_end0:
.L_simem_size_0:
called_computation_lowered:
.L_overlay_start_0:
0x88: {  	s2 =	sld [smem:$0x3FD9]  }
0x89: {  	s3 =	sld [smem:$0x3FFE];
	_ =	sdelay $0x1  }
0x8a: {  	s1 =	srdreg.scid  }
0x8b: {  	s0 =	sand.u32 $0x1, s1  }
0x8c: {  	s17 =	sshll.u32 s0, $0xA;
	s2 =	sadd.s32 s3, s2  }
0x8d: {  	s2 =	sadd.s32 s2, s17  }
0x8e: {  	[smem:$0x3FB5] =	sst s2  }
0x8f: {  	_ = 	snop  }
0x90: {  	s2 =	sld [smem:$0x3FC9];
	(tm) =	ssettm $0x1  }
0x91: {  	s18 =	sld [smem:$0x3FFB];
	_ =	sdelay $0x3  }
0x92: {  	_ =	strace s18  }
0x93: {  	s3 =	sld [smem:$0x3FFC];
	_ =	sdelay $0x3  }
0x94: {  	_ =	strace s3  }
0x95: {  	s3 =	sld [smem:$0x3FFD];
	_ =	sdelay $0x3  }
0x96: {  	_ =	strace s3  }
0x97: {  	_ =	strace $0x8FFFFFFF  }
0x98: {  	s19 =	sld [smem:$0x3FDB];
	_ =	sdelay $0x1  }
0x99: {  	s4 =	simm.s32 $_scs_section_size  }
0x9a: {  	s5 =	simm.s32 $_size__tile_overlayer_lowered;
	s6 =	simm.s32 $_tile_overlayer_lowered  }
0x9b: {  	s22 =	simm.s32 $0x1BFF;
	s21 =	sshll.u32 s6, $0x1;
	s3 =	sadd.s32 s4, s19  }
0x9c: {  	s7 =	simm.s32 $0x0;
	s20 =	sshll.u32 s5, $0x1;
	s5 =	sadd.s32 s21, s3  }
0x9d: {  	[timem:s7], [sflag:s22] =	dma.local [hbm:s5], s20  }
0x9e: {  	_ =	swait.ge [sflag:s22], s20  }
0x9f: {  	s4 =	ssub.s32 $0x0, s20;
	[sflag:s22] =	ssyncset.done $0x0  }
0xa0: {  	[sflag:s22] =	ssyncadd.s32 s4;
	_ =	sdelay $0x1  }
0xa1: {  	s23 =	simm.s32 $0x1B8B  }
0xa2: {  	_ =	swait.ge [sflag:s23], $0x1  }
0xa3: {  	[sflag:s23] =	ssyncset.done $0x0  }
0xa4: {  	s25 =	simm.s32 $0x1B8E;
	s24 =	sld [smem:$0x3FFE];
	[sflag:s23] =	ssyncadd.s32 $0xFFFFFFFF  }
0xa5: {  	s26 =	simm.s32 $execute0_lowered;
	[smem:$0x3FD2] =	sst s25  }
0xa6: {  	s5 =	sshll.u32 s26, $0x1;
	_ =	strace $0x80000046;
	[dreg:$0x1] =	wrdreg $0xFFFFFFFF  }
0xa7: {  	s28 =	simm.s32 $_size_execute0_lowered;
	s3 =	sadd.s32 s3, s5;
	[dreg:$0x0] =	wrdreg $0x0  }
0xa8: {  	s5 =	sshll.u32 s28, $0x1;
	[dreg:$0x2] =	wrdreg s3  }
0xa9: {  	[dreg:$0x3] =	wrdreg s5  }
0xaa: {  	[dreg:$0x4] =	wrdreg $0xC0  }
0xab: {  	_ =	task [dreg:s7], $0x5FFFF  }
0xac: {  	[dreg:$0x1] =	wrdreg $0xFFFFFFFF  }
0xad: {  	[dreg:$0x0] =	wrdreg $0x60  }
0xae: {  	[dreg:$0x2] =	wrdreg s24  }
0xaf: {  	[dreg:$0x3] =	wrdreg s2  }
0xb0: {  	[dreg:$0x4] =	wrdreg $0x90000  }
0xb1: {  	[dreg:$0x5] =	wrdreg $0x9  }
0xb2: {  	_ =	task.clear_ibuf [dreg:s7], $0x6FFFF;
	_ =	strace $0x90000046  }
0xb3: {  	s29 =	simm.s32 $0x9;
	_ =	strace $0x80000048  }
0xb4: {  	_ =	swait.ge [sflag:s29], $0x1  }
0xb5: {  	[sflag:s29] =	ssyncadd.s32 $0xFFFFFFFF  }
0xb6: {  	_ =	strace $0x90000048  }
0xb7: {  	_ =	sfence  }
0xb8: {  	s30 =	sld [smem:$0x0];
	_ =	sdelay $0x2  }
0xb9: {  	s31 =	sshll.u32 s1, $0xD;
	s1 =	sshrl.u32 s1, $0x2  }
0xba: {  	s3 =	sand.u32 $0x4000, s31;
	s1 =	sadd.s32 s1, s30  }
0xbb: {  	s0 =	sor.u32 s3, s0;
	s1 =	sshll.u32 s1, $0x11  }
0xbc: {  	s0 =	sor.u32 s1, s0  }
0xbd: {  	s0 =	sadd.s32 $0x8F2B, s0  }
0xbe: {  	[sflag:s0] =	ssyncadd.remote.s32 $0x1  }
0xbf: {  	_ =	sfence.sel $0xFFFF  }
0xc0: {  	[dreg:$0x0] =	wrdreg $0xFFFFFFFF;
	(pc) =	sbr.abs _section_cstart, $3  }
0xc1: {  	[dreg:$0x1] =	wrdreg $0xFFFFFFFF  }
0xc2: {  	_ =	task.clear_ibuf [dreg:s7], $0x2FFFF;
	_ =	strace $0x9FFFFFFF  }
0xc3: {  	(tm) =	ssettm $0x7FFFFFFF  }
tec
execute0_lowered:
.L_overlay_start_1:
0x0: {  	(tag) =	ssettag $0x1  }
0x1: {  	s5 =	rddreg [dreg:$0x0]  }
0x2: {  	s2 =	rddreg [dreg:$0x1];
	s1 =	srdreg.scid  }
0x3: {  	s0 =	stileid.u32;
	s3 =	rddreg [dreg:$0x2]  }
0x4: {  	s4 =	simm.s32 $0x0;
	s16 =	simm.s32 $0x5000;
	s19 =	simm.s32 $0x0  }
0x5: {  	s6 =	sand.u32 $0x1, s1;
	s1 =	rddreg [dreg:$0x3];
	s8 =	smul.u32 $0x2800, s0  }
0x6: {  	s7 =	sshll.u32 s0, $0x1;
	[smem:$0x7FF] =	sst s4;
	s10 =	smul.u32 $0x50000, s0  }
0x7: {  	s11 =	sadd.s32 $0x3FE00, s5;
	s29 =	sshll.u32 s0, $0x6;
	s14 =	smul.u32 $0x13800, s0  }
0x8: {  	s15 =	smul.u32 $0x4E000, s0;
	s18 =	sadd.s32 $0x138000, s3;
	p0 =	sne.s32 s0, $0xF  }
0x9: {  	s7 =	sor.u32 s6, s7;
	_ =	strace $0x80000047;
	s24 =	ssub.s32 $0x2, s6  }
0xa: {  	s28 =	smul.u32 $0x138800, s6;
	s6 =	sor.u32 $0x1C01, s29;
	s18 =	sshrl.u32 @!p0 s18, $0x3  }
0xb: {  	s7 =	smul.u32 $0x500, s7;
	s8 =	sadd.s32 s8, s5;
	s25 =	sshrl.u32 s24, $0x1  }
0xc: {  	s26 =	sshrl.u32 s10, $0x2;
	s31 =	sshrl.u32 s15, $0x2;
	s15 =	simm.s32 $0x80  }
0xd: {  	s12 =	ssub.s32 s24, s25;
	s13 =	sadd.s32 s26, s3;
	s30 =	sadd.s32 s14, s28  }
0xe: {  	s10 =	sshrl.u32 s28, $0x3;
	s17 =	sadd.s32 s31, s3;
	s14 =	simm.s32 $0x2800  }
0xf: {  	s9 =	sadd.s32 s7, s5;
	s5 =	sadd.s32 $0x17E00, s8;
	s10 =	sadd.s32 s11, s10  }
0x10: {  	s7 =	sadd.s32 $0xDE00, s9;
	s8 =	sadd.s32 $0x3E00, s9;
	s9 =	sshrl.u32 s30, $0x3  }
0x11: {  	s17 =	sshrl.u32 s17, $0x3;
	s10 =	sadd.s32 $0x27000, s10;
	s9 =	sadd.s32 s11, s9  }
0x12: {  	s11 =	smax.u32 s12, $0x1;
	s12 =	sshrl.u32 s13, $0x3;
	s13 =	simm.s32 $0x1  }
.LBB2_1:
0x13: {  	[spmem:s12], [sflag:s6] =	dma.local [hbm:s5], $0x2800  }
0x14: {  	_ =	swait.ge [sflag:s13], $0x2800  }
0x15: {  	[sflag:s13] =	ssyncset.done $0x0  }
0x16: {  	[sflag:s13] =	ssyncadd.s32 $0xFFFFD800  }
0x17: {  	[tilespmem:s4], [sflag:$0x1] =	stream.linear.gather [hbm4b:s7+s4], $0x2800, $0x38;
	[tilespmem:$0x1D000] =	vst v63  }
0x18: {  	_ =	swait.ge [sflag:s13], $0x2800  }
0x19: {  	[sflag:s13] =	ssyncset.done $0x0  }
0x1a: {  	[sflag:s13] =	ssyncadd.s32 $0xFFFFD800  }
0x1b: {  	[tilespmem:s14], [sflag:$0x1] =	stream.linear.gather [hbm4b:s8+s4], $0x2800, $0x38;
	[tilespmem:$0x1D000] =	vst v63  }
0x1c: {  	_ =	swait.ge [sflag:s13], $0x2800  }
0x1d: {  	[sflag:s13] =	ssyncset.done $0x0  }
0x1e: {  	[sflag:s13] =	ssyncadd.s32 $0xFFFFD800  }
0x1f: {  	s20 =	simm.s32 $0x0;
	[bflag:$0x0] =	sbarrier.arrive $0xFFFF  }
0x20: {  	[tilespmem:s16], [sflag:$0x1] =	stream.indirect.gather [hbm4b:s2+s15], $0x80, s20, s15, $0xb8;
	[tilespmem:$0x1D000] =	vst v63  }
0x21: {  	_ =	swait.ge [sflag:s13], $0x4000  }
0x22: {  	[sflag:s13] =	ssyncset.done $0x0  }
0x23: {  	s31 =	simm.s32 $0x2800;
	[sflag:s13] =	ssyncadd.s32 $0xFFFFC000  }
0x24: {  	[spmem:s3] =	stream.indirect.scatter.add.f32 [tilespmem:s16], [sflag:$0x1], $0x80, s31, s15, $0xb8;
	[tilespmem:$0x1D000] =	vst v63  }
0x25: {  	_ =	swait.ge [sflag:s13], $0x4000  }
0x26: {  	s21 =	simm.s32 $0x400;
	s20 =	simm.s32 $0x200;
	[sflag:s13] =	ssyncset.done $0x0  }
.LBB2_2:
0x27: {  	s22 =	sshra.s32 s20, $0x2  }
0x28: {  	[sflag:s13] =	ssyncadd.s32 $0xFFFFC000;
	s20 =	smov.u32 s21;
	s23 =	sadd.s32 $0x200, s21  }
0x29: {  	[tilespmem:s16], [sflag:$0x1] =	stream.indirect.gather [hbm4b:s2+s15], $0x80, s22, s15, $0xb8;
	[tilespmem:$0x1D000] =	vst v63  }
0x2a: {  	p1 =	sne.s32 s21, $0x9E00;
	_ =	swait.ge [sflag:s13], $0x4000  }
.Ltmp0:
0x2b: {  	[sflag:s13] =	ssyncset.done $0x0;
	(pc) =	sbr.rel @p1 .LBB2_2-.Ltmp0, $4  }
0x2c: {  	s21 =	sadd.s32 $0x2800, s22;
	[sflag:s13] =	ssyncadd.s32 $0xFFFFC000  }
0x2d: {  	[spmem:s3] =	stream.indirect.scatter.add.f32 [tilespmem:s16], [sflag:$0x1], $0x80, s21, s15, $0xb8;
	[tilespmem:$0x1D000] =	vst v63  }
0x2e: {  	_ =	swait.ge [sflag:s13], $0x4000  }
0x2f: {  	s21 =	smov.u32 s23;
	[sflag:s13] =	ssyncset.done $0x0  }
0x30: {  	s20 =	sshra.s32 s20, $0x2;
	[sflag:s13] =	ssyncadd.s32 $0xFFFFC000  }
0x31: {  	[tilespmem:s16], [sflag:$0x1] =	stream.indirect.gather [hbm4b:s2+s15], $0x80, s20, s15, $0xb8;
	[tilespmem:$0x1D000] =	vst v63  }
0x32: {  	_ =	swait.ge [sflag:s13], $0x4000  }
0x33: {  	[sflag:s13] =	ssyncset.done $0x0  }
0x34: {  	s20 =	sadd.s32 $0x2800, s20;
	[sflag:s13] =	ssyncadd.s32 $0xFFFFC000  }
0x35: {  	[spmem:s3] =	stream.indirect.scatter.add.f32 [tilespmem:s16], [sflag:$0x1], $0x80, s20, s15, $0xb8;
	[tilespmem:$0x1D000] =	vst v63  }
0x36: {  	_ =	swait.ge [sflag:s13], $0x4000  }
0x37: {  	[sflag:s13] =	ssyncset.done $0x0  }
0x38: {  	[sflag:s13] =	ssyncadd.s32 $0xFFFFC000  }
0x39: {  	[bflag:$0x0] =	sbarrier.arrive $0xFFFF  }
0x3a: {  	[hbm:s9], [sflag:s6] =	dma.local [spmem:s17], $0x2700  }
0x3b: {  	s19 =	sadd.s32 $0x1, s19;
	_ =	swait.ge [sflag:s13], $0x2700  }
0x3c: {  	p1 =	sne.s32 s19, s11;
	[sflag:s13] =	ssyncset.done $0x0  }
.Ltmp1:
0x3d: {  	s20 =	simm.s32 @!p0 $0x1;
	[sflag:s13] =	ssyncadd.s32 $0xFFFFD900;
	(pc) =	sbr.rel @p1 .LBB2_1-.Ltmp1, $4  }
0x3e: {  	[hbm:s10], [sflag:s6] =	dma.local @!p0 [spmem:s18], $0x100  }
0x3f: {  	_ =	swait.ge @!p0 [sflag:s20], $0x100  }
0x40: {  	[sflag:s20] =	ssyncset.done @!p0 $0x0  }
0x41: {  	[sflag:s20] =	ssyncadd.s32 @!p0 $0xFFFFFF00  }
0x42: {  	_ =	sfence.sel $0x180000  }
0x43: {  	[bflag:$0x0] =	sbarrier.arrive $0xFFFF  }
0x44: {  	p0 =	sne.s32 s0, $0x0;
	_ =	strace $0x90000047  }
0x45: {  	s0 =	sadd.s32 @!p0 $0x100000, s1;
	[bflag:$0x2] =	sbarrier.arrive $0xFFFF  }
0x46: {  	[sflag:s0] =	ssyncadd.tile.s32 @!p0 $0x1;
	_ =	shalt  }
.Lfunc_end2:
_tile_overlayer_lowered:
.L_overlay_start_2:
0x47: {  	(tag) =	ssettag $0x2  }
0x48: {  	s0 =	rddreg [dreg:$0x0];
	s2 =	stileid.u32  }
0x49: {  	s1 =	rddreg [dreg:$0x1];
	p0 =	sne.s32 s2, $0x0  }
0x4a: {  	s3 =	rddreg [dreg:$0x2];
	[bflag:$0x3] =	sbarrier.arrive $0xFFFF;
	s2 =	simm.s32 @!p0 $0x1C01  }
0x4b: {  	[timem:s3], [sflag:s2] =	dma.local @!p0 [hbm:s0], s1  }
0x4c: {  	s0 =	simm.s32 @!p0 $0x1  }
0x4d: {  	_ =	swait.ge @!p0 [sflag:s0], s1  }
0x4e: {  	s1 =	ssub.s32 @!p0 $0x0, s1;
	[sflag:s0] =	ssyncset.done @!p0 $0x0  }
0x4f: {  	[sflag:s0] =	ssyncadd.s32 @!p0 s1  }
0x50: {  	[bflag:$0x3] =	sbarrier.arrive $0xFFFF  }
0x51: {  	_ =	shalt  }

// kernel: kernel.9.cloned.1.call-start
scs
__scs_entry_jumppad:
0x0: {  	(pc) =	sbr.rel $0x88, $3  }
0x1: {  	(tag) =	ssettag $0x0;
	lr =	simm.s32 $0x1  }
0x2: {  	[smem:$0x3F8E] =	sst lr;
	_ =	strace $0xD0000000  }
0x3: {  	_ = 	snop  }
0x4: {  	_ = 	snop  }
0x5: {  	_ = 	snop  }
0x6: {  	_ = 	snop  }
0x7: {  	_ = 	snop  }
__scs_overlays_trampoline_lowered:
0x8: {  	[smem:$0x3F9D] =	sst s0  }
0x9: {  	[smem:$0x3F9E] =	sst s1  }
0xa: {  	[smem:$0x3F9F] =	sst s2  }
0xb: {  	[smem:$0x3FA0] =	sst s3  }
0xc: {  	[smem:$0x3FA1] =	sst s4  }
0xd: {  	[smem:$0x3FA2] =	sst s5  }
0xe: {  	[smem:$0x3FA3] =	sst s6  }
0xf: {  	[smem:$0x3FA4] =	sst s7  }
0x10: {  	[smem:$0x3FA5] =	sst s8  }
0x11: {  	[smem:$0x3FA6] =	sst s9;
	s0 =	simm.s32 @!p0 $0x0  }
0x12: {  	s1 =	sld [smem:$0x3F8C];
	s0 =	simm.s32 @p0 $0x1  }
0x13: {  	[smem:$0x3FA7] =	sst s0;
	s0 =	simm.s32 @!p1 $0x0  }
0x14: {  	s2 =	sld [smem:$0x3F8B];
	s0 =	simm.s32 @p1 $0x1  }
0x15: {  	[smem:$0x3FA8] =	sst s0;
	s0 =	simm.s32 @!p2 $0x0  }
0x16: {  	s3 =	sld [smem:$0x3FDB];
	s0 =	simm.s32 @p2 $0x1  }
0x17: {  	s4 =	simm.s32 $0x1BF5;
	[smem:$0x3FAA] =	sst s0  }
0x18: {  	s0 =	sld [smem:$0x3F8D];
	_ =	swait.ge [sflag:s4], $0x0  }
0x19: {  	s7 =	sld [smem:$0x3F8E]  }
0x1a: {  	s8 =	sadd.s32 $0xFFFFE003, lr  }
0x1b: {  	s9 =	sadd.s32 $0xFFFFFEF7, lr;
	s5 =	simm.s32 $0xFFFFFFFF;
	p2 =	slt.u32 s8, $0xFFFFF086  }
0x1c: {  	p1 =	slt.u32 s9, $0xF7A;
	s5 =	simm.s32 @!p2 $0x0  }
0x1d: {  	s5 =	simm.s32 @p1 $0x1;
	p0 =	seq.s32 s7, s2  }
0x1e: {  	s7 =	smul.u32 @!p0 $0xF7A, s2;
	p2 =	seq.s32 @!p0 s5, $0x0  }
0x1f: {  	s9 =	smul.u32 $0xF7A, s1;
	s8 =	simm.s32 @!p0 $0x1BF5;
	p2 =	por !p2, p0  }
0x20: {  	[sflag:s8] =	ssyncset.s32 @!p0 $0xFFFFF086;
	s6 =	sadd.s32 @!p0 s3, s7;
	s7 =	simm.s32 @!p0 $0x108  }
0x21: {  	s3 =	sadd.s32 s3, s9;
	s6 =	sadd.s32 @!p0 $0x88, s6;
	s7 =	simm.s32 @p2 $0x1082  }
0x22: {  	[simem:s7], [sflag:s8] =	dma.local @!p0 [hbm:s6], $0xF7A  }
0x23: {  	s9 =	sor.u32 $0xD0000000, s2;
	s6 =	simm.s32 $0x108;
	_ =	swait.ge @!p0 [sflag:s8], $0x0  }
0x24: {  	s3 =	sadd.s32 $0x88, s3;
	s6 =	simm.s32 @!p1 $0x1082;
	[sflag:s4] =	ssyncset.s32 $0xFFFFF086  }
0x25: {  	[simem:s6], [sflag:s4] =	dma.local [hbm:s3], $0xF7A  }
0x26: {  	[smem:$0x3F8E] =	sst s1;
	(tag) =	ssettag s2;
	_ =	strace s9  }
0x27: {  	s1 =	sld [smem:$0x3F9E]  }
0x28: {  	s2 =	sld [smem:$0x3F9F]  }
0x29: {  	s4 =	sld [smem:$0x3FA1]  }
0x2a: {  	p0 =	seq.s32 s5, $0x0;
	s5 =	sld [smem:$0x3FA2]  }
0x2b: {  	s6 =	sld [smem:$0x3FA3]  }
0x2c: {  	s7 =	sld [smem:$0x3FA4]  }
0x2d: {  	s3 =	simm.s32 $0x108;
	s8 =	sld [smem:$0x3FA5]  }
0x2e: {  	s3 =	simm.s32 @!p0 $0x1082;
	s9 =	sld [smem:$0x3FA6]  }
0x2f: {  	lr =	sadd.s32 s0, s3;
	s0 =	sld [smem:$0x3F9D]  }
0x30: {  	s3 =	sld [smem:$0x3FA0]  }
0x31: {  	[smem:$0x3FA9] =	sst s10  }
0x32: {  	s10 =	sld [smem:$0x3FA7];
	_ =	sdelay $0x3  }
0x33: {  	p0 =	seq.s32 s10, $0x1;
	s10 =	sld [smem:$0x3FA9];
	_ =	sdelay $0x3  }
0x34: {  	[smem:$0x3FA9] =	sst s10  }
0x35: {  	s10 =	sld [smem:$0x3FA8];
	_ =	sdelay $0x3  }
0x36: {  	p1 =	seq.s32 s10, $0x1;
	s10 =	sld [smem:$0x3FA9];
	_ =	sdelay $0x3  }
0x37: {  	[smem:$0x3FA9] =	sst s10  }
0x38: {  	s10 =	sld [smem:$0x3FAA]  }
0x39: {  	_ = 	snop;
	(pc) =	sbr.ind lr, $3  }
0x3a: {  	_ = 	snop  }
0x3b: {  	_ = 	snop  }
0x3c: {  	p2 =	seq.s32 s10, $0x1;
	s10 =	sld [smem:$0x3FA9]  }
0x3d: {  	_ =	shalt  }
0x3e: {  	_ =	shalt  }
0x3f: {  	_ =	shalt  }
0x40: {  	_ =	shalt  }
0x41: {  	_ =	shalt  }
0x42: {  	_ =	shalt  }
0x43: {  	_ =	shalt  }
0x44: {  	_ =	shalt  }
0x45: {  	_ =	shalt  }
0x46: {  	_ =	shalt  }
0x47: {  	_ =	shalt  }
0x48: {  	_ =	shalt  }
0x49: {  	_ =	shalt  }
0x4a: {  	_ =	shalt  }
0x4b: {  	_ =	shalt  }
0x4c: {  	_ =	shalt  }
0x4d: {  	_ =	shalt  }
0x4e: {  	_ =	shalt  }
0x4f: {  	_ =	shalt  }
0x50: {  	_ =	shalt  }
0x51: {  	_ =	shalt  }
0x52: {  	_ =	shalt  }
0x53: {  	_ =	shalt  }
0x54: {  	_ =	shalt  }
0x55: {  	_ =	shalt  }
0x56: {  	_ =	shalt  }
0x57: {  	_ =	shalt  }
0x58: {  	_ =	shalt  }
0x59: {  	_ =	shalt  }
0x5a: {  	_ =	shalt  }
0x5b: {  	_ =	shalt  }
0x5c: {  	_ =	shalt  }
0x5d: {  	_ =	shalt  }
0x5e: {  	_ =	shalt  }
0x5f: {  	_ =	shalt  }
0x60: {  	_ =	shalt  }
0x61: {  	_ =	shalt  }
0x62: {  	_ =	shalt  }
0x63: {  	_ =	shalt  }
0x64: {  	_ =	shalt  }
0x65: {  	_ =	shalt  }
0x66: {  	_ =	shalt  }
0x67: {  	_ =	shalt  }
0x68: {  	_ =	shalt  }
0x69: {  	_ =	shalt  }
0x6a: {  	_ =	shalt  }
0x6b: {  	_ =	shalt  }
0x6c: {  	_ =	shalt  }
0x6d: {  	_ =	shalt  }
0x6e: {  	_ =	shalt  }
0x6f: {  	_ =	shalt  }
0x70: {  	_ =	shalt  }
0x71: {  	_ =	shalt  }
0x72: {  	_ =	shalt  }
0x73: {  	_ =	shalt  }
0x74: {  	_ =	shalt  }
0x75: {  	_ =	shalt  }
0x76: {  	_ =	shalt  }
0x77: {  	_ =	shalt  }
0x78: {  	_ =	shalt  }
0x79: {  	_ =	shalt  }
0x7a: {  	_ =	shalt  }
0x7b: {  	_ =	shalt  }
0x7c: {  	_ =	shalt  }
0x7d: {  	_ =	shalt  }
0x7e: {  	_ =	shalt  }
0x7f: {  	_ =	shalt  }
0x80: {  	_ =	shalt  }
0x81: {  	_ =	shalt  }
0x82: {  	_ =	shalt  }
0x83: {  	_ =	shalt  }
0x84: {  	_ =	shalt  }
0x85: {  	_ =	shalt  }
0x86: {  	_ =	shalt  }
0x87: {  	_ =	shalt  }
.Lfunc_end0:
.L_simem_size_0:
called_computation.1_lowered:
.L_overlay_start_0:
0x88: {  	s2 =	sld [smem:$0x3FD9]  }
0x89: {  	s3 =	sld [smem:$0x3FFE];
	_ =	sdelay $0x1  }
0x8a: {  	s1 =	srdreg.scid  }
0x8b: {  	s0 =	sand.u32 $0x1, s1  }
0x8c: {  	s16 =	sshll.u32 s0, $0xA;
	s2 =	sadd.s32 s3, s2  }
0x8d: {  	s2 =	sadd.s32 s2, s16  }
0x8e: {  	[smem:$0x3FB5] =	sst s2  }
0x8f: {  	_ = 	snop  }
0x90: {  	(tm) =	ssettm $0x1  }
0x91: {  	s17 =	sld [smem:$0x3FFB];
	_ =	sdelay $0x3  }
0x92: {  	_ =	strace s17  }
0x93: {  	s2 =	sld [smem:$0x3FFC];
	_ =	sdelay $0x3  }
0x94: {  	_ =	strace s2  }
0x95: {  	s2 =	sld [smem:$0x3FFD];
	_ =	sdelay $0x3  }
0x96: {  	_ =	strace s2  }
0x97: {  	_ =	strace $0x8FFFFFFF  }
0x98: {  	s18 =	sld [smem:$0x3FDB];
	_ =	sdelay $0x1  }
0x99: {  	s19 =	simm.s32 $_scs_section_size  }
0x9a: {  	s4 =	simm.s32 $_size__tile_overlayer_lowered;
	s5 =	simm.s32 $_tile_overlayer_lowered  }
0x9b: {  	s22 =	simm.s32 $0x1BFF;
	s21 =	sshll.u32 s5, $0x1;
	s2 =	sadd.s32 s19, s18  }
0x9c: {  	s6 =	simm.s32 $0x0;
	s20 =	sshll.u32 s4, $0x1;
	s4 =	sadd.s32 s21, s2  }
0x9d: {  	[timem:s6], [sflag:s22] =	dma.local [hbm:s4], s20  }
0x9e: {  	_ =	swait.ge [sflag:s22], s20  }
0x9f: {  	s3 =	ssub.s32 $0x0, s20;
	[sflag:s22] =	ssyncset.done $0x0  }
0xa0: {  	[sflag:s22] =	ssyncadd.s32 s3;
	_ =	sdelay $0x1  }
0xa1: {  	s23 =	simm.s32 $0x1B8B  }
0xa2: {  	_ =	swait.ge [sflag:s23], $0x1  }
0xa3: {  	[sflag:s23] =	ssyncset.done $0x0  }
0xa4: {  	s25 =	simm.s32 $0x1B8E;
	s24 =	sld [smem:$0x3FFE];
	[sflag:s23] =	ssyncadd.s32 $0xFFFFFFFF  }
0xa5: {  	s26 =	simm.s32 $execute0_lowered;
	[smem:$0x3FD2] =	sst s25  }
0xa6: {  	s4 =	sshll.u32 s26, $0x1;
	_ =	strace $0x80000049;
	[dreg:$0x1] =	wrdreg $0xFFFFFFFF  }
0xa7: {  	s28 =	simm.s32 $_size_execute0_lowered;
	s2 =	sadd.s32 s2, s4;
	[dreg:$0x0] =	wrdreg $0x0  }
0xa8: {  	s4 =	sshll.u32 s28, $0x1;
	[dreg:$0x2] =	wrdreg s2  }
0xa9: {  	[dreg:$0x3] =	wrdreg s4  }
0xaa: {  	[dreg:$0x4] =	wrdreg $0xC0  }
0xab: {  	_ =	task [dreg:s6], $0x5FFFF  }
0xac: {  	[dreg:$0x1] =	wrdreg $0xFFFFFFFF  }
0xad: {  	[dreg:$0x0] =	wrdreg $0x60  }
0xae: {  	[dreg:$0x2] =	wrdreg s24  }
0xaf: {  	[dreg:$0x3] =	wrdreg $0x90000  }
0xb0: {  	[dreg:$0x4] =	wrdreg $0x9  }
0xb1: {  	_ =	task.clear_ibuf [dreg:s6], $0x5FFFF;
	_ =	strace $0x90000049  }
0xb2: {  	s29 =	simm.s32 $0x9;
	_ =	strace $0x8000004B  }
0xb3: {  	_ =	swait.ge [sflag:s29], $0x1  }
0xb4: {  	[sflag:s29] =	ssyncadd.s32 $0xFFFFFFFF  }
0xb5: {  	_ =	strace $0x9000004B  }
0xb6: {  	_ =	sfence  }
0xb7: {  	s30 =	sld [smem:$0x0];
	_ =	sdelay $0x2  }
0xb8: {  	s31 =	sshll.u32 s1, $0xD;
	s1 =	sshrl.u32 s1, $0x2  }
0xb9: {  	s3 =	sand.u32 $0x4000, s31;
	s1 =	sadd.s32 s1, s30  }
0xba: {  	s0 =	sor.u32 s3, s0;
	s1 =	sshll.u32 s1, $0x11  }
0xbb: {  	s0 =	sor.u32 s1, s0  }
0xbc: {  	s0 =	sadd.s32 $0x8F2B, s0  }
0xbd: {  	[sflag:s0] =	ssyncadd.remote.s32 $0x1  }
0xbe: {  	_ =	sfence.sel $0xFFFF  }
0xbf: {  	[dreg:$0x0] =	wrdreg $0xFFFFFFFF;
	(pc) =	sbr.abs _section_cstart, $3  }
0xc0: {  	[dreg:$0x1] =	wrdreg $0xFFFFFFFF  }
0xc1: {  	_ =	task.clear_ibuf [dreg:s6], $0x2FFFF;
	_ =	strace $0x9FFFFFFF  }
0xc2: {  	(tm) =	ssettm $0x7FFFFFFF  }
0xc3: {  	_ =	shalt  }
tec
execute0_lowered:
.L_overlay_start_1:
0x0: {  	(tag) =	ssettag $0x1  }
0x1: {  	s1 =	srdreg.scid;
	s5 =	rddreg [dreg:$0x0]  }
0x2: {  	s0 =	stileid.u32;
	s2 =	rddreg [dreg:$0x1];
	s3 =	simm.s32 $0x0  }
0x3: {  	s16 =	simm.s32 $0x5000;
	s19 =	simm.s32 $0x0;
	s7 =	smul.u32 $0x2800, s0  }
0x4: {  	s6 =	sand.u32 $0x1, s1;
	s1 =	rddreg [dreg:$0x2];
	s10 =	smul.u32 $0x50000, s0  }
0x5: {  	s24 =	sshll.u32 s0, $0x1;
	[smem:$0x7FF] =	sst s3;
	s30 =	smul.u32 $0x13800, s0  }
0x6: {  	s11 =	sadd.s32 $0x67000, s5;
	s29 =	sshll.u32 s0, $0x6;
	s14 =	smul.u32 $0x4E000, s0  }
0x7: {  	s18 =	sadd.s32 $0x138000, s2;
	p0 =	sne.s32 s0, $0xF;
	s4 =	sor.u32 s6, s24  }
0x8: {  	_ =	strace $0x8000004A;
	s9 =	ssub.s32 $0x2, s6;
	s28 =	smul.u32 $0x138800, s6  }
0x9: {  	s6 =	sor.u32 $0x1C01, s29;
	s18 =	sshrl.u32 @!p0 s18, $0x3;
	s4 =	smul.u32 $0x500, s4  }
0xa: {  	s7 =	sadd.s32 s7, s5;
	s25 =	sshrl.u32 s9, $0x1;
	s26 =	sshrl.u32 s10, $0x2  }
0xb: {  	s14 =	sshrl.u32 s14, $0x2;
	s12 =	ssub.s32 s9, s25;
	s13 =	sadd.s32 s26, s2  }
0xc: {  	s10 =	sadd.s32 s30, s28;
	s15 =	sshrl.u32 s28, $0x3;
	s17 =	sadd.s32 s14, s2  }
0xd: {  	s14 =	simm.s32 $0x2800;
	s8 =	sadd.s32 s4, s5;
	s4 =	sadd.s32 $0x3FE00, s5  }
0xe: {  	s5 =	sadd.s32 $0x17E00, s7;
	s10 =	sshrl.u32 s10, $0x3;
	s31 =	sadd.s32 s11, s15  }
0xf: {  	s15 =	simm.s32 $0x80;
	s17 =	sshrl.u32 s17, $0x3;
	s7 =	sadd.s32 $0xDE00, s8  }
0x10: {  	s8 =	sadd.s32 $0x3E00, s8;
	s9 =	sadd.s32 s11, s10;
	s10 =	sadd.s32 $0x27000, s31  }
0x11: {  	s11 =	smax.u32 s12, $0x1;
	s12 =	sshrl.u32 s13, $0x3;
	s13 =	simm.s32 $0x1  }
.LBB2_1:
0x12: {  	[spmem:s12], [sflag:s6] =	dma.local [hbm:s5], $0x2800  }
0x13: {  	_ =	swait.ge [sflag:s13], $0x2800  }
0x14: {  	[sflag:s13] =	ssyncset.done $0x0  }
0x15: {  	[sflag:s13] =	ssyncadd.s32 $0xFFFFD800  }
0x16: {  	[tilespmem:s3], [sflag:$0x1] =	stream.linear.gather [hbm4b:s7+s3], $0x2800, $0x38;
	[tilespmem:$0x1D000] =	vst v63  }
0x17: {  	_ =	swait.ge [sflag:s13], $0x2800  }
0x18: {  	[sflag:s13] =	ssyncset.done $0x0  }
0x19: {  	[sflag:s13] =	ssyncadd.s32 $0xFFFFD800  }
0x1a: {  	[tilespmem:s14], [sflag:$0x1] =	stream.linear.gather [hbm4b:s8+s3], $0x2800, $0x38;
	[tilespmem:$0x1D000] =	vst v63  }
0x1b: {  	_ =	swait.ge [sflag:s13], $0x2800  }
0x1c: {  	[sflag:s13] =	ssyncset.done $0x0  }
0x1d: {  	[sflag:s13] =	ssyncadd.s32 $0xFFFFD800  }
0x1e: {  	s20 =	simm.s32 $0x0;
	[bflag:$0x0] =	sbarrier.arrive $0xFFFF  }
0x1f: {  	[tilespmem:s16], [sflag:$0x1] =	stream.indirect.gather [hbm4b:s4+s15], $0x80, s20, s15, $0xb8;
	[tilespmem:$0x1D000] =	vst v63  }
0x20: {  	_ =	swait.ge [sflag:s13], $0x4000  }
0x21: {  	[sflag:s13] =	ssyncset.done $0x0  }
0x22: {  	s31 =	simm.s32 $0x2800;
	[sflag:s13] =	ssyncadd.s32 $0xFFFFC000  }
0x23: {  	[spmem:s2] =	stream.indirect.scatter.add.f32 [tilespmem:s16], [sflag:$0x1], $0x80, s31, s15, $0xb8;
	[tilespmem:$0x1D000] =	vst v63  }
0x24: {  	_ =	swait.ge [sflag:s13], $0x4000  }
0x25: {  	s21 =	simm.s32 $0x400;
	s20 =	simm.s32 $0x200;
	[sflag:s13] =	ssyncset.done $0x0  }
.LBB2_2:
0x26: {  	s22 =	sshra.s32 s20, $0x2  }
0x27: {  	[sflag:s13] =	ssyncadd.s32 $0xFFFFC000;
	s20 =	smov.u32 s21;
	s23 =	sadd.s32 $0x200, s21  }
0x28: {  	[tilespmem:s16], [sflag:$0x1] =	stream.indirect.gather [hbm4b:s4+s15], $0x80, s22, s15, $0xb8;
	[tilespmem:$0x1D000] =	vst v63  }
0x29: {  	p1 =	sne.s32 s21, $0x9E00;
	_ =	swait.ge [sflag:s13], $0x4000  }
.Ltmp0:
0x2a: {  	[sflag:s13] =	ssyncset.done $0x0;
	(pc) =	sbr.rel @p1 .LBB2_2-.Ltmp0, $4  }
0x2b: {  	s21 =	sadd.s32 $0x2800, s22;
	[sflag:s13] =	ssyncadd.s32 $0xFFFFC000  }
0x2c: {  	[spmem:s2] =	stream.indirect.scatter.add.f32 [tilespmem:s16], [sflag:$0x1], $0x80, s21, s15, $0xb8;
	[tilespmem:$0x1D000] =	vst v63  }
0x2d: {  	_ =	swait.ge [sflag:s13], $0x4000  }
0x2e: {  	s21 =	smov.u32 s23;
	[sflag:s13] =	ssyncset.done $0x0  }
0x2f: {  	s20 =	sshra.s32 s20, $0x2;
	[sflag:s13] =	ssyncadd.s32 $0xFFFFC000  }
0x30: {  	[tilespmem:s16], [sflag:$0x1] =	stream.indirect.gather [hbm4b:s4+s15], $0x80, s20, s15, $0xb8;
	[tilespmem:$0x1D000] =	vst v63  }
0x31: {  	_ =	swait.ge [sflag:s13], $0x4000  }
0x32: {  	[sflag:s13] =	ssyncset.done $0x0  }
0x33: {  	s20 =	sadd.s32 $0x2800, s20;
	[sflag:s13] =	ssyncadd.s32 $0xFFFFC000  }
0x34: {  	[spmem:s2] =	stream.indirect.scatter.add.f32 [tilespmem:s16], [sflag:$0x1], $0x80, s20, s15, $0xb8;
	[tilespmem:$0x1D000] =	vst v63  }
0x35: {  	_ =	swait.ge [sflag:s13], $0x4000  }
0x36: {  	[sflag:s13] =	ssyncset.done $0x0  }
0x37: {  	[sflag:s13] =	ssyncadd.s32 $0xFFFFC000  }
0x38: {  	[bflag:$0x0] =	sbarrier.arrive $0xFFFF  }
0x39: {  	[hbm:s9], [sflag:s6] =	dma.local [spmem:s17], $0x2700  }
0x3a: {  	s19 =	sadd.s32 $0x1, s19;
	_ =	swait.ge [sflag:s13], $0x2700  }
0x3b: {  	p1 =	sne.s32 s19, s11;
	[sflag:s13] =	ssyncset.done $0x0  }
.Ltmp1:
0x3c: {  	s20 =	simm.s32 @!p0 $0x1;
	[sflag:s13] =	ssyncadd.s32 $0xFFFFD900;
	(pc) =	sbr.rel @p1 .LBB2_1-.Ltmp1, $4  }
0x3d: {  	[hbm:s10], [sflag:s6] =	dma.local @!p0 [spmem:s18], $0x100  }
0x3e: {  	_ =	swait.ge @!p0 [sflag:s20], $0x100  }
0x3f: {  	[sflag:s20] =	ssyncset.done @!p0 $0x0  }
0x40: {  	[sflag:s20] =	ssyncadd.s32 @!p0 $0xFFFFFF00  }
0x41: {  	_ =	sfence.sel $0x180000  }
0x42: {  	[bflag:$0x0] =	sbarrier.arrive $0xFFFF  }
0x43: {  	p0 =	sne.s32 s0, $0x0;
	_ =	strace $0x9000004A  }
0x44: {  	s0 =	sadd.s32 @!p0 $0x100000, s1;
	[bflag:$0x2] =	sbarrier.arrive $0xFFFF  }
0x45: {  	[sflag:s0] =	ssyncadd.tile.s32 @!p0 $0x1;
	_ =	shalt  }
.Lfunc_end2:
_tile_overlayer_lowered:
.L_overlay_start_2:
0x46: {  	(tag) =	ssettag $0x2  }
0x47: {  	s0 =	rddreg [dreg:$0x0];
	s2 =	stileid.u32  }
0x48: {  	s1 =	rddreg [dreg:$0x1];
	p0 =	sne.s32 s2, $0x0  }
0x49: {  	s3 =	rddreg [dreg:$0x2];
	[bflag:$0x3] =	sbarrier.arrive $0xFFFF;
	s2 =	simm.s32 @!p0 $0x1C01  }
0x4a: {  	[timem:s3], [sflag:s2] =	dma.local @!p0 [hbm:s0], s1  }
0x4b: {  	s0 =	simm.s32 @!p0 $0x1  }
0x4c: {  	_ =	swait.ge @!p0 [sflag:s0], s1  }
0x4d: {  	s1 =	ssub.s32 @!p0 $0x0, s1;
	[sflag:s0] =	ssyncset.done @!p0 $0x0  }
0x4e: {  	[sflag:s0] =	ssyncadd.s32 @!p0 s1  }
0x4f: {  	[bflag:$0x3] =	sbarrier.arrive $0xFFFF  }
0x50: {  	_ =	shalt  }

</sc_bundles>
